<compile_context>
chip_gen: v7x
topology: tpu7x:2x2x1
jax: 0.10.2.dev20260603
libtpu: 0.0.44.dev20260713+nightly
codegen_flags: <defaults>
</compile_context>

<pallas_src>
import functools

import jax
import jax.numpy as jnp
from jax.experimental import pallas as pl
from jax.experimental.pallas import tpu as pltpu
from jax.experimental.pallas import tpu_sc as plsc

N = 2048
H = 512
NH = 8
DH = H // NH
K = 1024
RT = 256
QT = 512

_SC_NC = 2
_SC_NS = 16
_NW = _SC_NC * _SC_NS
_BPW = N // _NW


def _lrelu(x):
    return jnp.where(x >= 0, x, 0.01 * x)


def _dotT(a, b):
    return jax.lax.dot_general(a, b, (((1,), (1,)), ((), ())),
                               preferred_element_type=jnp.float32)


def _enc_body(fch_ref, inp_ref, wfe_ref, bfe_ref, win_ref, bin_ref,
              whf_ref, whi_ref, bh_ref, wq_ref, wk_ref, wv_ref,
              fc_ref, q_ref, k_ref, v_ref):
    fc = _lrelu(jnp.dot(fch_ref[...], wfe_ref[...],
                        preferred_element_type=jnp.float32) + bfe_ref[...])
    t = jnp.dot(inp_ref[...], win_ref[...],
                preferred_element_type=jnp.float32) + bin_ref[...]
    x = _lrelu(jnp.dot(fc, whf_ref[...], preferred_element_type=jnp.float32)
               + jnp.dot(t, whi_ref[...], preferred_element_type=jnp.float32)
               + bh_ref[...])
    fc_ref[...] = fc
    q = jnp.dot(x, wq_ref[...], preferred_element_type=jnp.float32)
    k = jnp.dot(x, wk_ref[...], preferred_element_type=jnp.float32)
    v = jnp.dot(x, wv_ref[...], preferred_element_type=jnp.float32)
    for h in range(NH):
        q_ref[h] = q[:, h * DH:(h + 1) * DH]
        k_ref[h] = k[:, h * DH:(h + 1) * DH]
        v_ref[h] = v[:, h * DH:(h + 1) * DH]


def _attn_body(q_ref, k_ref, v_ref, o_ref):
    s = _dotT(q_ref[0], k_ref[0]) * 0.125
    m = jnp.max(s, axis=1, keepdims=True)
    e = jnp.exp(s - m)
    p = e / jnp.sum(e, axis=1, keepdims=True)
    o_ref[0] = jnp.dot(p, v_ref[0], preferred_element_type=jnp.float32)


def _vq_body(attn_ref, wo_ref, bo_ref, cb_ref, ze_ref, idx_ref):
    a = jnp.concatenate([attn_ref[h] for h in range(NH)], axis=1)
    z = jnp.dot(a, wo_ref[...],
                preferred_element_type=jnp.float32) + bo_ref[...]
    cb = cb_ref[...]
    cn = jnp.sum(cb * cb, axis=1)[None, :]
    zn = jnp.sum(z * z, axis=1, keepdims=True)
    d = zn - 2.0 * _dotT(z, cb) + cn
    dmin = jnp.min(d, axis=1, keepdims=True)
    ii = jax.lax.broadcasted_iota(jnp.int32, d.shape, 1)
    idx = jnp.min(jnp.where(d == dmin, ii, K), axis=1)
    ze_ref[...] = z
    idx_ref[0, 0, :] = idx


def _dec_body(fc_ref, ze_ref, zq_ref, wda_ref, wdb_ref, bd1_ref,
              wd2_ref, bd2_ref, out_ref, zst_ref):
    ze = ze_ref[...]
    zst = ze + (zq_ref[...] - ze)
    h = _lrelu(jnp.dot(fc_ref[...], wda_ref[...],
                       preferred_element_type=jnp.float32)
               + jnp.dot(zst, wdb_ref[...],
                         preferred_element_type=jnp.float32)
               + bd1_ref[...])
    out_ref[...] = jnp.dot(h, wd2_ref[...],
                           preferred_element_type=jnp.float32) + bd2_ref[...]
    zst_ref[...] = zst


def _sc_gather(codebook, idx):
    mesh = plsc.VectorSubcoreMesh(core_axis_name="c", subcore_axis_name="s")

    @functools.partial(
        pl.kernel, mesh=mesh,
        out_type=jax.ShapeDtypeStruct((N, H), jnp.float32),
        scratch_types=[
            pltpu.VMEM((_BPW,), jnp.int32),
            pltpu.VMEM((_BPW, H), jnp.float32),
            pltpu.SemaphoreType.DMA,
        ],
    )
    def gk(cb_hbm, idx_hbm, out_hbm, idx_v, rows_v, sem):
        wid = jax.lax.axis_index("s") * _SC_NC + jax.lax.axis_index("c")
        base = wid * _BPW
        pltpu.sync_copy(idx_hbm.at[pl.ds(base, _BPW)], idx_v)
        pltpu.async_copy(cb_hbm.at[idx_v], rows_v, sem).wait()
        pltpu.sync_copy(rows_v, out_hbm.at[pl.ds(base, _BPW)])

    return gk(codebook, idx)


def kernel(input, firm_char, W_fe, b_fe, W_in, b_in, W_h, b_h,
           W_q, W_k, W_v, W_o, b_o, codebook, W_d1, b_d1, W_d2, b_d2):
    f32 = jnp.float32
    nrt = N // RT

    full = lambda a: pl.BlockSpec(a.shape, lambda i: (0,) * a.ndim)
    row = lambda c: pl.BlockSpec((RT, c), lambda i: (i, 0))

    fc, q, k, v = pl.pallas_call(
        _enc_body,
        grid=(nrt,),
        in_specs=[row(256), row(64),
                  full(W_fe), pl.BlockSpec((1, H), lambda i: (0, 0)),
                  full(W_in), pl.BlockSpec((1, H), lambda i: (0, 0)),
                  pl.BlockSpec((H, H), lambda i: (0, 0)),
                  pl.BlockSpec((H, H), lambda i: (0, 0)),
                  pl.BlockSpec((1, H), lambda i: (0, 0)),
                  full(W_q), full(W_k), full(W_v)],
        out_specs=[row(H),
                   pl.BlockSpec((NH, RT, DH), lambda i: (0, i, 0)),
                   pl.BlockSpec((NH, RT, DH), lambda i: (0, i, 0)),
                   pl.BlockSpec((NH, RT, DH), lambda i: (0, i, 0))],
        out_shape=[jax.ShapeDtypeStruct((N, H), f32)]
                  + [jax.ShapeDtypeStruct((NH, N, DH), f32)] * 3,
    )(firm_char, input, W_fe, b_fe.reshape(1, H), W_in, b_in.reshape(1, H),
      W_h[:H], W_h[H:], b_h.reshape(1, H), W_q, W_k, W_v)

    attn = pl.pallas_call(
        _attn_body,
        grid=(NH, N // QT),
        in_specs=[pl.BlockSpec((1, QT, DH), lambda h, i: (h, i, 0)),
                  pl.BlockSpec((1, N, DH), lambda h, i: (h, 0, 0)),
                  pl.BlockSpec((1, N, DH), lambda h, i: (h, 0, 0))],
        out_specs=pl.BlockSpec((1, QT, DH), lambda h, i: (h, i, 0)),
        out_shape=jax.ShapeDtypeStruct((NH, N, DH), f32),
    )(q, k, v)

    z_e, idx3 = pl.pallas_call(
        _vq_body,
        grid=(nrt,),
        in_specs=[pl.BlockSpec((NH, RT, DH), lambda i: (0, i, 0)),
                  full(W_o), pl.BlockSpec((1, H), lambda i: (0, 0)),
                  full(codebook)],
        out_specs=[row(H), pl.BlockSpec((1, 1, RT), lambda i: (i, 0, 0))],
        out_shape=[jax.ShapeDtypeStruct((N, H), f32),
                   jax.ShapeDtypeStruct((nrt, 1, RT), jnp.int32)],
    )(attn, W_o, b_o.reshape(1, H), codebook)

    idx = idx3.reshape(N)
    z_q_raw = _sc_gather(codebook, idx)

    output, z_q = pl.pallas_call(
        _dec_body,
        grid=(nrt,),
        in_specs=[row(H), row(H), row(H),
                  pl.BlockSpec((H, H), lambda i: (0, 0)),
                  pl.BlockSpec((H, H), lambda i: (0, 0)),
                  pl.BlockSpec((1, H), lambda i: (0, 0)),
                  full(W_d2), pl.BlockSpec((1, 1), lambda i: (0, 0))],
        out_specs=[pl.BlockSpec((RT, 1), lambda i: (i, 0)), row(H)],
        out_shape=[jax.ShapeDtypeStruct((N, 1), f32),
                   jax.ShapeDtypeStruct((N, H), f32)],
    )(fc, z_e, z_q_raw, W_d1[:H], W_d1[H:], b_d1.reshape(1, H),
      W_d2, b_d2.reshape(1, 1))

    return output, z_q, idx

# --- scband reference (transcript-rebuilt; emitter-appended) ---
"""Pipeline reference for scband-factor-vqvae-71399536328770 (READ-ONLY COPY).

The authoritative reference and input builder live on the scoring server;
editing this copy changes nothing except your own understanding.
"""

import jax, jax.numpy as jnp
import numpy as np

NUM_HEADS = 8


def setup_inputs(seed: int = 0) -> dict:
    key = jax.random.key(seed)
    ks = jax.random.split(key, 16)

    def s(k, shape, fan):
        return jax.random.normal(k, shape, dtype=jnp.float32) * (1.0 / np.sqrt(fan))

    inp = {}
    inp["input"] = jax.random.normal(ks[0], (2048, 64), dtype=jnp.float32)
    inp["firm_char"] = jax.random.normal(ks[1], (2048, 256), dtype=jnp.float32)
    # feature extractor: num_features -> hidden
    inp["W_fe"] = s(ks[2], (256, 512), 256)
    inp["b_fe"] = jnp.zeros((512,), jnp.float32)
    # encoder input projection and fuse layer
    inp["W_in"] = s(ks[3], (64, 512), 64)
    inp["b_in"] = jnp.zeros((512,), jnp.float32)
    inp["W_h"] = s(ks[4], (1024, 512), 1024)
    inp["b_h"] = jnp.zeros((512,), jnp.float32)
    # multi-head attention projections
    inp["W_q"] = s(ks[5], (512, 512), 512)
    inp["W_k"] = s(ks[6], (512, 512), 512)
    inp["W_v"] = s(ks[7], (512, 512), 512)
    inp["W_o"] = s(ks[8], (512, 512), 512)
    inp["b_o"] = jnp.zeros((512,), jnp.float32)
    # VQ codebook: num_factors x hidden
    inp["codebook"] = jax.random.normal(ks[9], (1024, 512), dtype=jnp.float32)
    # decoder
    inp["W_d1"] = s(ks[10], (1024, 512), 1024)
    inp["b_d1"] = jnp.zeros((512,), jnp.float32)
    inp["W_d2"] = s(ks[11], (512, 1), 512)
    inp["b_d2"] = jnp.zeros((1,), jnp.float32)
    return inp


def _mha(x, W_q, W_k, W_v, W_o, b_o, nh=NUM_HEADS):
    N, H = x.shape
    dh = H // nh
    q = (x @ W_q).reshape(N, nh, dh).transpose(1, 0, 2)
    k = (x @ W_k).reshape(N, nh, dh).transpose(1, 0, 2)
    v = (x @ W_v).reshape(N, nh, dh).transpose(1, 0, 2)
    attn = jax.nn.softmax(jnp.einsum('hnd,hmd->hnm', q, k) / np.sqrt(dh), axis=-1)
    out = jnp.einsum('hnm,hmd->hnd', attn, v).transpose(1, 0, 2).reshape(N, H)
    return out @ W_o + b_o


def _vq(z, codebook):
    d = (jnp.sum(z * z, axis=-1, keepdims=True)
         - 2.0 * (z @ codebook.T)
         + jnp.sum(codebook * codebook, axis=-1)[None, :])
    idx = jnp.argmin(d, axis=-1)
    z_q = jnp.take(codebook, idx, axis=0)
    # straight-through estimator
    z_q_st = z + jax.lax.stop_gradient(z_q - z)
    return z_q_st, idx


def reference(input, firm_char, W_fe, b_fe, W_in, b_in, W_h, b_h,
              W_q, W_k, W_v, W_o, b_o, codebook, W_d1, b_d1, W_d2, b_d2):
    # feature extractor
    fc = jax.nn.leaky_relu(firm_char @ W_fe + b_fe)
    # encoder: fuse firm characteristics with return features, then MHA over stocks
    x = jax.nn.leaky_relu(jnp.concatenate([fc, input @ W_in + b_in], axis=-1) @ W_h + b_h)
    z_e = _mha(x, W_q, W_k, W_v, W_o, b_o)
    # no-grad warmup pass of the VQ layer with a random tensor (mirrors torch forward)
    rnd = jax.random.uniform(jax.random.key(1), z_e.shape, dtype=z_e.dtype)
    _ = jax.lax.stop_gradient(_vq(rnd, codebook)[0])
    # quantize encoder output
    z_q, idx = _vq(z_e, codebook)
    # decoder
    dec_h = jax.nn.leaky_relu(jnp.concatenate([fc, z_q], axis=-1) @ W_d1 + b_d1)
    output = dec_h @ W_d2 + b_d2
    return output, z_q, idx

if __name__ == "__main__":
    import jax
    _d = setup_inputs()
    print(jax.jit(kernel)(*tuple(_d.values())))

</pallas_src>

<mosaic_0001>
#map = affine_map<(d0, d1) -> (0, 0)>
#map1 = affine_map<(d0, d1) -> (0)>
module attributes {stable_mosaic.version = 14 : i64} {
  func.func @gk(%arg0: i32, %arg1: i32, %arg2: memref<1024x512xf32, #tpu.memory_space<hbm>>, %arg3: memref<2048xi32, #tpu.memory_space<hbm>>, %arg4: memref<2048x512xf32, #tpu.memory_space<hbm>>, %arg5: memref<64xi32, #tpu.memory_space<vmem>>, %arg6: memref<64x512xf32, #tpu.memory_space<vmem>>, %arg7: memref<!tpu.dma_semaphore, #tpu.memory_space<semaphore_mem>>) attributes {dimension_semantics = [#tpu.dimension_semantics<core_parallel>, #tpu.dimension_semantics<subcore_parallel>], iteration_bounds = array<i64: 2, 16>, scalar_prefetch = 0 : i64, scratch_operands = 3 : i64, tpu.core_type = #tpu.core_type<sc_vector_subcore>, window_params = [{transform_indices = #map}, {transform_indices = #map1}, {transform_indices = #map}]} {
    %mul3A = arith.constant 2 : i32
    %mul3A_0 = arith.muli %arg1, %mul3A : i32
    %add3A = arith.addi %mul3A_0, %arg0 : i32
    %mul3A_1 = arith.constant 64 : i32
    %mul3A_2 = arith.muli %add3A, %mul3A_1 : i32
    "tpu.region"() ({
      %run_scoped3A = tpu.sem_alloc : memref<!tpu.dma_semaphore, #tpu.memory_space<semaphore_mem>>
      %dma_start3A_7 = tpu.memref_slice %arg3[%mul3A_2] : memref<2048xi32, #tpu.memory_space<hbm>> -> memref<64xi32, #tpu.memory_space<hbm>>
      %dma_start3A_8 = tpu.memref_slice %arg3[%mul3A_2] : memref<2048xi32, #tpu.memory_space<hbm>> -> memref<64xi32, #tpu.memory_space<hbm>>
      tpu.enqueue_dma source(%dma_start3A_8 : memref<64xi32, #tpu.memory_space<hbm>>) target(%arg5 : memref<64xi32, #tpu.memory_space<vmem>>) target_semaphore(%run_scoped3A : memref<!tpu.dma_semaphore, #tpu.memory_space<semaphore_mem>>)
      %dma_wait3A_9 = tpu.memref_slice %arg3[%mul3A_2] : memref<2048xi32, #tpu.memory_space<hbm>> -> memref<64xi32, #tpu.memory_space<hbm>>
      %dma_wait3A_10 = tpu.memref_slice %arg3[%mul3A_2] : memref<2048xi32, #tpu.memory_space<hbm>> -> memref<64xi32, #tpu.memory_space<hbm>>
      tpu.wait_dma2 semaphore(%run_scoped3A : memref<!tpu.dma_semaphore, #tpu.memory_space<semaphore_mem>>) src(%dma_wait3A_10 : memref<64xi32, #tpu.memory_space<hbm>>) dst(%arg5 : memref<64xi32, #tpu.memory_space<vmem>>)
      tpu.yield
    }) : () -> ()
    %dma_start3A = arith.constant 0 : i32
    %dma_start3A_3 = arith.constant 0 : i32
    %dma_start3A_4 = tpu.memref_slice %arg2[%dma_start3A, %dma_start3A_3] : memref<1024x512xf32, #tpu.memory_space<hbm>> -> memref<1024x512xf32, #tpu.memory_space<hbm>>
    tpu.enqueue_indirect_dma source(%dma_start3A_4 : memref<1024x512xf32, #tpu.memory_space<hbm>>) target(%arg6 : memref<64x512xf32, #tpu.memory_space<vmem>>) offsets(%arg5 : memref<64xi32, #tpu.memory_space<vmem>>) semaphore(%arg7 : memref<!tpu.dma_semaphore, #tpu.memory_space<semaphore_mem>>)
    %dma_wait3A = arith.constant 0 : i32
    %dma_wait3A_5 = arith.constant 0 : i32
    %dma_wait3A_6 = tpu.memref_slice %arg2[%dma_wait3A, %dma_wait3A_5] : memref<1024x512xf32, #tpu.memory_space<hbm>> -> memref<1024x512xf32, #tpu.memory_space<hbm>>
    tpu.wait_indirect_dma semaphore(%arg7 : memref<!tpu.dma_semaphore, #tpu.memory_space<semaphore_mem>>) src(%dma_wait3A_6 : memref<1024x512xf32, #tpu.memory_space<hbm>>) dst(%arg6 : memref<64x512xf32, #tpu.memory_space<vmem>>)
    "tpu.region"() ({
      %run_scoped3A = tpu.sem_alloc : memref<!tpu.dma_semaphore, #tpu.memory_space<semaphore_mem>>
      %dma_start3A_7 = arith.constant 0 : i32
      %dma_start3A_8 = tpu.memref_slice %arg4[%mul3A_2, %dma_start3A_7] : memref<2048x512xf32, #tpu.memory_space<hbm>> -> memref<64x512xf32, #tpu.memory_space<hbm>>
      %dma_start3A_9 = arith.constant 0 : i32
      %dma_start3A_10 = tpu.memref_slice %arg4[%mul3A_2, %dma_start3A_9] : memref<2048x512xf32, #tpu.memory_space<hbm>> -> memref<64x512xf32, #tpu.memory_space<hbm>>
      tpu.enqueue_dma source(%arg6 : memref<64x512xf32, #tpu.memory_space<vmem>>) target(%dma_start3A_10 : memref<64x512xf32, #tpu.memory_space<hbm>>) target_semaphore(%run_scoped3A : memref<!tpu.dma_semaphore, #tpu.memory_space<semaphore_mem>>)
      %dma_wait3A_11 = arith.constant 0 : i32
      %dma_wait3A_12 = tpu.memref_slice %arg4[%mul3A_2, %dma_wait3A_11] : memref<2048x512xf32, #tpu.memory_space<hbm>> -> memref<64x512xf32, #tpu.memory_space<hbm>>
      %dma_wait3A_13 = arith.constant 0 : i32
      %dma_wait3A_14 = tpu.memref_slice %arg4[%mul3A_2, %dma_wait3A_13] : memref<2048x512xf32, #tpu.memory_space<hbm>> -> memref<64x512xf32, #tpu.memory_space<hbm>>
      tpu.wait_dma2 semaphore(%run_scoped3A : memref<!tpu.dma_semaphore, #tpu.memory_space<semaphore_mem>>) src(%arg6 : memref<64x512xf32, #tpu.memory_space<vmem>>) dst(%dma_wait3A_14 : memref<64x512xf32, #tpu.memory_space<hbm>>)
      tpu.yield
    }) : () -> ()
    return
  }
}

module attributes {stable_mosaic.version = 14 : i64} {
  func.func @_attn_body(%arg0: i32, %arg1: i32, %arg2: memref<1x512x64xf32, #tpu.memory_space<vmem>>, %arg3: memref<1x2048x64xf32, #tpu.memory_space<vmem>>, %arg4: memref<1x2048x64xf32, #tpu.memory_space<vmem>>, %arg5: memref<1x512x64xf32, #tpu.memory_space<vmem>>) attributes {dimension_semantics = [#tpu.dimension_semantics<arbitrary>, #tpu.dimension_semantics<arbitrary>], iteration_bounds = array<i64: 8, 4>, scalar_prefetch = 0 : i64, scratch_operands = 0 : i64, tpu.core_type = #tpu.core_type<tc>, window_params = [{transform_indices = @transform_0, window_bounds = array<i64: 1, 512, 64>}, {transform_indices = @transform_1, window_bounds = array<i64: 1, 2048, 64>}, {transform_indices = @transform_2, window_bounds = array<i64: 1, 2048, 64>}, {transform_indices = @transform_3, window_bounds = array<i64: 1, 512, 64>}]} {
    %get3A = arith.constant 0 : index
    %get3A_0 = arith.constant 0 : index
    %get3A_1 = arith.constant 0 : index
    %get3A_2 = vector.load %arg2[%get3A, %get3A_0, %get3A_1] : memref<1x512x64xf32, #tpu.memory_space<vmem>>, vector<1x512x64xf32>
    %get3A_3 = vector.shape_cast %get3A_2 : vector<1x512x64xf32> to vector<512x64xf32>
    %get3A_4 = arith.constant 0 : index
    %get3A_5 = arith.constant 0 : index
    %get3A_6 = arith.constant 0 : index
    %get3A_7 = vector.load %arg3[%get3A_4, %get3A_5, %get3A_6] : memref<1x2048x64xf32, #tpu.memory_space<vmem>>, vector<1x2048x64xf32>
    %get3A_8 = vector.shape_cast %get3A_7 : vector<1x2048x64xf32> to vector<2048x64xf32>
    %dot_general3A = arith.constant dense<0.000000e+00> : vector<512x2048xf32>
    %dot_general3A_9 = tpu.matmul %get3A_3, %get3A_8, %dot_general3A {dimension_numbers = #tpu.dot_dimension_numbers<[1], [1], [0], [0], [0, 0, 1, 0], [], []>, transpose_lhs_hint = false} : vector<512x64xf32>, vector<2048x64xf32>, vector<512x2048xf32> -> vector<512x2048xf32>
    %mul3A = arith.constant 1.250000e-01 : f32
    %mul3A_10 = vector.broadcast %mul3A : f32 to vector<512x2048xf32>
    %mul3A_11 = arith.mulf %dot_general3A_9, %mul3A_10 : vector<512x2048xf32>
    %reduce_max3A = arith.constant dense<0xFF800000> : vector<512xf32>
    %reduce_max3A_12 = vector.multi_reduction <maximumf>, %mul3A_11, %reduce_max3A [1] : vector<512x2048xf32> to vector<512xf32>
    %broadcast_in_dim3A = vector.shape_cast %reduce_max3A_12 : vector<512xf32> to vector<512x1xf32>
    %sub3A = vector.broadcast %broadcast_in_dim3A : vector<512x1xf32> to vector<512x2048xf32>
    %sub3A_13 = arith.subf %mul3A_11, %sub3A : vector<512x2048xf32>
    %exp3A = math.exp %sub3A_13 : vector<512x2048xf32>
    %reduce_sum3A = arith.constant dense<0.000000e+00> : vector<512xf32>
    %reduce_sum3A_14 = vector.multi_reduction <add>, %exp3A, %reduce_sum3A [1] : vector<512x2048xf32> to vector<512xf32>
    %broadcast_in_dim3A_15 = vector.shape_cast %reduce_sum3A_14 : vector<512xf32> to vector<512x1xf32>
    %div3A = vector.broadcast %broadcast_in_dim3A_15 : vector<512x1xf32> to vector<512x2048xf32>
    %div3A_16 = arith.divf %exp3A, %div3A : vector<512x2048xf32>
    %get3A_17 = arith.constant 0 : index
    %get3A_18 = arith.constant 0 : index
    %get3A_19 = arith.constant 0 : index
    %get3A_20 = vector.load %arg4[%get3A_17, %get3A_18, %get3A_19] : memref<1x2048x64xf32, #tpu.memory_space<vmem>>, vector<1x2048x64xf32>
    %get3A_21 = vector.shape_cast %get3A_20 : vector<1x2048x64xf32> to vector<2048x64xf32>
    %dot_general3A_22 = arith.constant dense<0.000000e+00> : vector<512x64xf32>
    %dot_general3A_23 = tpu.matmul %div3A_16, %get3A_21, %dot_general3A_22 {dimension_numbers = #tpu.dot_dimension_numbers<[1], [0], [0], [1], [0, 0, 1, 1], [], []>, transpose_lhs_hint = false} : vector<512x2048xf32>, vector<2048x64xf32>, vector<512x64xf32> -> vector<512x64xf32>
    %swap3A = arith.constant 0 : index
    %swap3A_24 = arith.constant 0 : index
    %swap3A_25 = arith.constant 0 : index
    %swap3A_26 = vector.load %arg5[%swap3A, %swap3A_24, %swap3A_25] : memref<1x512x64xf32, #tpu.memory_space<vmem>>, vector<1x512x64xf32>
    %swap3A_27 = vector.shape_cast %swap3A_26 : vector<1x512x64xf32> to vector<512x64xf32>
    %swap3A_28 = vector.shape_cast %dot_general3A_23 : vector<512x64xf32> to vector<1x512x64xf32>
    tpu.vector_store %arg5[%swap3A, %swap3A_24, %swap3A_25], %swap3A_28 {strides = array<i32>} : memref<1x512x64xf32, #tpu.memory_space<vmem>>, vector<1x512x64xf32>,
    return
  }
  func.func @transform_0(%arg0: i32, %arg1: i32) -> (i32, i32, i32) {
    %c0_i32 = arith.constant 0 : i32
    %c0_i32_0 = arith.constant 0 : i32
    return %arg0, %arg1, %c0_i32 : i32, i32, i32
  }
  func.func @transform_1(%arg0: i32, %arg1: i32) -> (i32, i32, i32) {
    %c0_i32 = arith.constant 0 : i32
    %c0_i32_0 = arith.constant 0 : i32
    %c0_i32_1 = arith.constant 0 : i32
    return %arg0, %c0_i32, %c0_i32_0 : i32, i32, i32
  }
  func.func @transform_2(%arg0: i32, %arg1: i32) -> (i32, i32, i32) {
    %c0_i32 = arith.constant 0 : i32
    %c0_i32_0 = arith.constant 0 : i32
    %c0_i32_1 = arith.constant 0 : i32
    return %arg0, %c0_i32, %c0_i32_0 : i32, i32, i32
  }
  func.func @transform_3(%arg0: i32, %arg1: i32) -> (i32, i32, i32) {
    %c0_i32 = arith.constant 0 : i32
    %c0_i32_0 = arith.constant 0 : i32
    return %arg0, %arg1, %c0_i32 : i32, i32, i32
  }
}

module attributes {stable_mosaic.version = 14 : i64} {
  func.func @_enc_body(%arg0: i32, %arg1: memref<256x256xf32, #tpu.memory_space<vmem>>, %arg2: memref<256x64xf32, #tpu.memory_space<vmem>>, %arg3: memref<256x512xf32, #tpu.memory_space<vmem>>, %arg4: memref<1x512xf32, #tpu.memory_space<vmem>>, %arg5: memref<64x512xf32, #tpu.memory_space<vmem>>, %arg6: memref<1x512xf32, #tpu.memory_space<vmem>>, %arg7: memref<512x512xf32, #tpu.memory_space<vmem>>, %arg8: memref<512x512xf32, #tpu.memory_space<vmem>>, %arg9: memref<1x512xf32, #tpu.memory_space<vmem>>, %arg10: memref<512x512xf32, #tpu.memory_space<vmem>>, %arg11: memref<512x512xf32, #tpu.memory_space<vmem>>, %arg12: memref<512x512xf32, #tpu.memory_space<vmem>>, %arg13: memref<256x512xf32, #tpu.memory_space<vmem>>, %arg14: memref<8x256x64xf32, #tpu.memory_space<vmem>>, %arg15: memref<8x256x64xf32, #tpu.memory_space<vmem>>, %arg16: memref<8x256x64xf32, #tpu.memory_space<vmem>>) attributes {dimension_semantics = [#tpu.dimension_semantics<arbitrary>], iteration_bounds = array<i64: 8>, scalar_prefetch = 0 : i64, scratch_operands = 0 : i64, tpu.core_type = #tpu.core_type<tc>, window_params = [{transform_indices = @transform_0, window_bounds = array<i64: 256, 256>}, {transform_indices = @transform_1, window_bounds = array<i64: 256, 64>}, {pipeline_mode = #tpu.pipeline_mode<synchronous>, transform_indices = @transform_2, window_bounds = array<i64: 256, 512>}, {pipeline_mode = #tpu.pipeline_mode<synchronous>, transform_indices = @transform_3, window_bounds = array<i64: 1, 512>}, {pipeline_mode = #tpu.pipeline_mode<synchronous>, transform_indices = @transform_4, window_bounds = array<i64: 64, 512>}, {pipeline_mode = #tpu.pipeline_mode<synchronous>, transform_indices = @transform_5, window_bounds = array<i64: 1, 512>}, {pipeline_mode = #tpu.pipeline_mode<synchronous>, transform_indices = @transform_6, window_bounds = array<i64: 512, 512>}, {pipeline_mode = #tpu.pipeline_mode<synchronous>, transform_indices = @transform_7, window_bounds = array<i64: 512, 512>}, {pipeline_mode = #tpu.pipeline_mode<synchronous>, transform_indices = @transform_8, window_bounds = array<i64: 1, 512>}, {pipeline_mode = #tpu.pipeline_mode<synchronous>, transform_indices = @transform_9, window_bounds = array<i64: 512, 512>}, {pipeline_mode = #tpu.pipeline_mode<synchronous>, transform_indices = @transform_10, window_bounds = array<i64: 512, 512>}, {pipeline_mode = #tpu.pipeline_mode<synchronous>, transform_indices = @transform_11, window_bounds = array<i64: 512, 512>}, {transform_indices = @transform_12, window_bounds = array<i64: 256, 512>}, {transform_indices = @transform_13, window_bounds = array<i64: 8, 256, 64>}, {transform_indices = @transform_14, window_bounds = array<i64: 8, 256, 64>}, {transform_indices = @transform_15, window_bounds = array<i64: 8, 256, 64>}]} {
    %get3A = arith.constant 0 : index
    %get3A_0 = arith.constant 0 : index
    %get3A_1 = vector.load %arg1[%get3A, %get3A_0] : memref<256x256xf32, #tpu.memory_space<vmem>>, vector<256x256xf32>
    %get3A_2 = arith.constant 0 : index
    %get3A_3 = arith.constant 0 : index
    %get3A_4 = vector.load %arg3[%get3A_2, %get3A_3] : memref<256x512xf32, #tpu.memory_space<vmem>>, vector<256x512xf32>
    %dot_general3A = arith.constant dense<0.000000e+00> : vector<256x512xf32>
    %dot_general3A_5 = tpu.matmul %get3A_1, %get3A_4, %dot_general3A {dimension_numbers = #tpu.dot_dimension_numbers<[1], [0], [0], [1], [0, 0, 1, 1], [], []>, transpose_lhs_hint = false} : vector<256x256xf32>, vector<256x512xf32>, vector<256x512xf32> -> vector<256x512xf32>
    %get3A_6 = arith.constant 0 : index
    %get3A_7 = arith.constant 0 : index
    %get3A_8 = vector.load %arg4[%get3A_6, %get3A_7] : memref<1x512xf32, #tpu.memory_space<vmem>>, vector<1x512xf32>
    %add3A = vector.broadcast %get3A_8 : vector<1x512xf32> to vector<256x512xf32>
    %add3A_9 = arith.addf %dot_general3A_5, %add3A : vector<256x512xf32>
    %ge3A = arith.constant 0.000000e+00 : f32
    %ge3A_10 = vector.broadcast %ge3A : f32 to vector<256x512xf32>
    %ge3A_11 = arith.cmpf oge, %add3A_9, %ge3A_10 : vector<256x512xf32>
    %mul3A = arith.constant 0.00999999977 : f32
    %mul3A_12 = vector.broadcast %mul3A : f32 to vector<256x512xf32>
    %mul3A_13 = arith.mulf %mul3A_12, %add3A_9 : vector<256x512xf32>
    %select_n3A = arith.select %ge3A_11, %add3A_9, %mul3A_13 : vector<256x512xi1>, vector<256x512xf32>
    %get3A_14 = arith.constant 0 : index
    %get3A_15 = arith.constant 0 : index
    %get3A_16 = vector.load %arg2[%get3A_14, %get3A_15] : memref<256x64xf32, #tpu.memory_space<vmem>>, vector<256x64xf32>
    %get3A_17 = arith.constant 0 : index
    %get3A_18 = arith.constant 0 : index
    %get3A_19 = vector.load %arg5[%get3A_17, %get3A_18] : memref<64x512xf32, #tpu.memory_space<vmem>>, vector<64x512xf32>
    %dot_general3A_20 = arith.constant dense<0.000000e+00> : vector<256x512xf32>
    %dot_general3A_21 = tpu.matmul %get3A_16, %get3A_19, %dot_general3A_20 {dimension_numbers = #tpu.dot_dimension_numbers<[1], [0], [0], [1], [0, 0, 1, 1], [], []>, transpose_lhs_hint = false} : vector<256x64xf32>, vector<64x512xf32>, vector<256x512xf32> -> vector<256x512xf32>
    %get3A_22 = arith.constant 0 : index
    %get3A_23 = arith.constant 0 : index
    %get3A_24 = vector.load %arg6[%get3A_22, %get3A_23] : memref<1x512xf32, #tpu.memory_space<vmem>>, vector<1x512xf32>
    %add3A_25 = vector.broadcast %get3A_24 : vector<1x512xf32> to vector<256x512xf32>
    %add3A_26 = arith.addf %dot_general3A_21, %add3A_25 : vector<256x512xf32>
    %get3A_27 = arith.constant 0 : index
    %get3A_28 = arith.constant 0 : index
    %get3A_29 = vector.load %arg7[%get3A_27, %get3A_28] : memref<512x512xf32, #tpu.memory_space<vmem>>, vector<512x512xf32>
    %dot_general3A_30 = arith.constant dense<0.000000e+00> : vector<256x512xf32>
    %dot_general3A_31 = tpu.matmul %select_n3A, %get3A_29, %dot_general3A_30 {dimension_numbers = #tpu.dot_dimension_numbers<[1], [0], [0], [1], [0, 0, 1, 1], [], []>, transpose_lhs_hint = false} : vector<256x512xf32>, vector<512x512xf32>, vector<256x512xf32> -> vector<256x512xf32>
    %get3A_32 = arith.constant 0 : index
    %get3A_33 = arith.constant 0 : index
    %get3A_34 = vector.load %arg8[%get3A_32, %get3A_33] : memref<512x512xf32, #tpu.memory_space<vmem>>, vector<512x512xf32>
    %dot_general3A_35 = arith.constant dense<0.000000e+00> : vector<256x512xf32>
    %dot_general3A_36 = tpu.matmul %add3A_26, %get3A_34, %dot_general3A_35 {dimension_numbers = #tpu.dot_dimension_numbers<[1], [0], [0], [1], [0, 0, 1, 1], [], []>, transpose_lhs_hint = false} : vector<256x512xf32>, vector<512x512xf32>, vector<256x512xf32> -> vector<256x512xf32>
    %add3A_37 = arith.addf %dot_general3A_31, %dot_general3A_36 : vector<256x512xf32>
    %get3A_38 = arith.constant 0 : index
    %get3A_39 = arith.constant 0 : index
    %get3A_40 = vector.load %arg9[%get3A_38, %get3A_39] : memref<1x512xf32, #tpu.memory_space<vmem>>, vector<1x512xf32>
    %add3A_41 = vector.broadcast %get3A_40 : vector<1x512xf32> to vector<256x512xf32>
    %add3A_42 = arith.addf %add3A_37, %add3A_41 : vector<256x512xf32>
    %ge3A_43 = arith.constant 0.000000e+00 : f32
    %ge3A_44 = vector.broadcast %ge3A_43 : f32 to vector<256x512xf32>
    %ge3A_45 = arith.cmpf oge, %add3A_42, %ge3A_44 : vector<256x512xf32>
    %mul3A_46 = arith.constant 0.00999999977 : f32
    %mul3A_47 = vector.broadcast %mul3A_46 : f32 to vector<256x512xf32>
    %mul3A_48 = arith.mulf %mul3A_47, %add3A_42 : vector<256x512xf32>
    %select_n3A_49 = arith.select %ge3A_45, %add3A_42, %mul3A_48 : vector<256x512xi1>, vector<256x512xf32>
    %swap3A = arith.constant 0 : index
    %swap3A_50 = arith.constant 0 : index
    %swap3A_51 = vector.load %arg13[%swap3A, %swap3A_50] : memref<256x512xf32, #tpu.memory_space<vmem>>, vector<256x512xf32>
    tpu.vector_store %arg13[%swap3A, %swap3A_50], %select_n3A {strides = array<i32>} : memref<256x512xf32, #tpu.memory_space<vmem>>, vector<256x512xf32>,
    %get3A_52 = arith.constant 0 : index
    %get3A_53 = arith.constant 0 : index
    %get3A_54 = vector.load %arg10[%get3A_52, %get3A_53] : memref<512x512xf32, #tpu.memory_space<vmem>>, vector<512x512xf32>
    %dot_general3A_55 = arith.constant dense<0.000000e+00> : vector<256x512xf32>
    %dot_general3A_56 = tpu.matmul %select_n3A_49, %get3A_54, %dot_general3A_55 {dimension_numbers = #tpu.dot_dimension_numbers<[1], [0], [0], [1], [0, 0, 1, 1], [], []>, transpose_lhs_hint = false} : vector<256x512xf32>, vector<512x512xf32>, vector<256x512xf32> -> vector<256x512xf32>
    %get3A_57 = arith.constant 0 : index
    %get3A_58 = arith.constant 0 : index
    %get3A_59 = vector.load %arg11[%get3A_57, %get3A_58] : memref<512x512xf32, #tpu.memory_space<vmem>>, vector<512x512xf32>
    %dot_general3A_60 = arith.constant dense<0.000000e+00> : vector<256x512xf32>
    %dot_general3A_61 = tpu.matmul %select_n3A_49, %get3A_59, %dot_general3A_60 {dimension_numbers = #tpu.dot_dimension_numbers<[1], [0], [0], [1], [0, 0, 1, 1], [], []>, transpose_lhs_hint = false} : vector<256x512xf32>, vector<512x512xf32>, vector<256x512xf32> -> vector<256x512xf32>
    %get3A_62 = arith.constant 0 : index
    %get3A_63 = arith.constant 0 : index
    %get3A_64 = vector.load %arg12[%get3A_62, %get3A_63] : memref<512x512xf32, #tpu.memory_space<vmem>>, vector<512x512xf32>
    %dot_general3A_65 = arith.constant dense<0.000000e+00> : vector<256x512xf32>
    %dot_general3A_66 = tpu.matmul %select_n3A_49, %get3A_64, %dot_general3A_65 {dimension_numbers = #tpu.dot_dimension_numbers<[1], [0], [0], [1], [0, 0, 1, 1], [], []>, transpose_lhs_hint = false} : vector<256x512xf32>, vector<512x512xf32>, vector<256x512xf32> -> vector<256x512xf32>
    %slice3A = vector.extract_strided_slice %dot_general3A_56 {offsets = [0, 0], sizes = [256, 64], strides = [1, 1]} : vector<256x512xf32> to vector<256x64xf32>
    %swap3A_67 = arith.constant 0 : index
    %swap3A_68 = arith.constant 0 : index
    %swap3A_69 = arith.constant 0 : index
    %swap3A_70 = vector.load %arg14[%swap3A_67, %swap3A_68, %swap3A_69] : memref<8x256x64xf32, #tpu.memory_space<vmem>>, vector<1x256x64xf32>
    %swap3A_71 = vector.shape_cast %swap3A_70 : vector<1x256x64xf32> to vector<256x64xf32>
    %swap3A_72 = vector.shape_cast %slice3A : vector<256x64xf32> to vector<1x256x64xf32>
    tpu.vector_store %arg14[%swap3A_67, %swap3A_68, %swap3A_69], %swap3A_72 {strides = array<i32>} : memref<8x256x64xf32, #tpu.memory_space<vmem>>, vector<1x256x64xf32>,
    %slice3A_73 = vector.extract_strided_slice %dot_general3A_61 {offsets = [0, 0], sizes = [256, 64], strides = [1, 1]} : vector<256x512xf32> to vector<256x64xf32>
    %swap3A_74 = arith.constant 0 : index
    %swap3A_75 = arith.constant 0 : index
    %swap3A_76 = arith.constant 0 : index
    %swap3A_77 = vector.load %arg15[%swap3A_74, %swap3A_75, %swap3A_76] : memref<8x256x64xf32, #tpu.memory_space<vmem>>, vector<1x256x64xf32>
    %swap3A_78 = vector.shape_cast %swap3A_77 : vector<1x256x64xf32> to vector<256x64xf32>
    %swap3A_79 = vector.shape_cast %slice3A_73 : vector<256x64xf32> to vector<1x256x64xf32>
    tpu.vector_store %arg15[%swap3A_74, %swap3A_75, %swap3A_76], %swap3A_79 {strides = array<i32>} : memref<8x256x64xf32, #tpu.memory_space<vmem>>, vector<1x256x64xf32>,
    %slice3A_80 = vector.extract_strided_slice %dot_general3A_66 {offsets = [0, 0], sizes = [256, 64], strides = [1, 1]} : vector<256x512xf32> to vector<256x64xf32>
    %swap3A_81 = arith.constant 0 : index
    %swap3A_82 = arith.constant 0 : index
    %swap3A_83 = arith.constant 0 : index
    %swap3A_84 = vector.load %arg16[%swap3A_81, %swap3A_82, %swap3A_83] : memref<8x256x64xf32, #tpu.memory_space<vmem>>, vector<1x256x64xf32>
    %swap3A_85 = vector.shape_cast %swap3A_84 : vector<1x256x64xf32> to vector<256x64xf32>
    %swap3A_86 = vector.shape_cast %slice3A_80 : vector<256x64xf32> to vector<1x256x64xf32>
    tpu.vector_store %arg16[%swap3A_81, %swap3A_82, %swap3A_83], %swap3A_86 {strides = array<i32>} : memref<8x256x64xf32, #tpu.memory_space<vmem>>, vector<1x256x64xf32>,
    %slice3A_87 = vector.extract_strided_slice %dot_general3A_56 {offsets = [0, 64], sizes = [256, 64], strides = [1, 1]} : vector<256x512xf32> to vector<256x64xf32>
    %swap3A_88 = arith.constant 1 : index
    %swap3A_89 = arith.constant 0 : index
    %swap3A_90 = arith.constant 0 : index
    %swap3A_91 = vector.load %arg14[%swap3A_88, %swap3A_89, %swap3A_90] : memref<8x256x64xf32, #tpu.memory_space<vmem>>, vector<1x256x64xf32>
    %swap3A_92 = vector.shape_cast %swap3A_91 : vector<1x256x64xf32> to vector<256x64xf32>
    %swap3A_93 = vector.shape_cast %slice3A_87 : vector<256x64xf32> to vector<1x256x64xf32>
    tpu.vector_store %arg14[%swap3A_88, %swap3A_89, %swap3A_90], %swap3A_93 {strides = array<i32>} : memref<8x256x64xf32, #tpu.memory_space<vmem>>, vector<1x256x64xf32>,
    %slice3A_94 = vector.extract_strided_slice %dot_general3A_61 {offsets = [0, 64], sizes = [256, 64], strides = [1, 1]} : vector<256x512xf32> to vector<256x64xf32>
    %swap3A_95 = arith.constant 1 : index
    %swap3A_96 = arith.constant 0 : index
    %swap3A_97 = arith.constant 0 : index
    %swap3A_98 = vector.load %arg15[%swap3A_95, %swap3A_96, %swap3A_97] : memref<8x256x64xf32, #tpu.memory_space<vmem>>, vector<1x256x64xf32>
    %swap3A_99 = vector.shape_cast %swap3A_98 : vector<1x256x64xf32> to vector<256x64xf32>
    %swap3A_100 = vector.shape_cast %slice3A_94 : vector<256x64xf32> to vector<1x256x64xf32>
    tpu.vector_store %arg15[%swap3A_95, %swap3A_96, %swap3A_97], %swap3A_100 {strides = array<i32>} : memref<8x256x64xf32, #tpu.memory_space<vmem>>, vector<1x256x64xf32>,
    %slice3A_101 = vector.extract_strided_slice %dot_general3A_66 {offsets = [0, 64], sizes = [256, 64], strides = [1, 1]} : vector<256x512xf32> to vector<256x64xf32>
    %swap3A_102 = arith.constant 1 : index
    %swap3A_103 = arith.constant 0 : index
    %swap3A_104 = arith.constant 0 : index
    %swap3A_105 = vector.load %arg16[%swap3A_102, %swap3A_103, %swap3A_104] : memref<8x256x64xf32, #tpu.memory_space<vmem>>, vector<1x256x64xf32>
    %swap3A_106 = vector.shape_cast %swap3A_105 : vector<1x256x64xf32> to vector<256x64xf32>
    %swap3A_107 = vector.shape_cast %slice3A_101 : vector<256x64xf32> to vector<1x256x64xf32>
    tpu.vector_store %arg16[%swap3A_102, %swap3A_103, %swap3A_104], %swap3A_107 {strides = array<i32>} : memref<8x256x64xf32, #tpu.memory_space<vmem>>, vector<1x256x64xf32>,
    %slice3A_108 = vector.extract_strided_slice %dot_general3A_56 {offsets = [0, 128], sizes = [256, 64], strides = [1, 1]} : vector<256x512xf32> to vector<256x64xf32>
    %swap3A_109 = arith.constant 2 : index
    %swap3A_110 = arith.constant 0 : index
    %swap3A_111 = arith.constant 0 : index
    %swap3A_112 = vector.load %arg14[%swap3A_109, %swap3A_110, %swap3A_111] : memref<8x256x64xf32, #tpu.memory_space<vmem>>, vector<1x256x64xf32>
    %swap3A_113 = vector.shape_cast %swap3A_112 : vector<1x256x64xf32> to vector<256x64xf32>
    %swap3A_114 = vector.shape_cast %slice3A_108 : vector<256x64xf32> to vector<1x256x64xf32>
    tpu.vector_store %arg14[%swap3A_109, %swap3A_110, %swap3A_111], %swap3A_114 {strides = array<i32>} : memref<8x256x64xf32, #tpu.memory_space<vmem>>, vector<1x256x64xf32>,
    %slice3A_115 = vector.extract_strided_slice %dot_general3A_61 {offsets = [0, 128], sizes = [256, 64], strides = [1, 1]} : vector<256x512xf32> to vector<256x64xf32>
    %swap3A_116 = arith.constant 2 : index
    %swap3A_117 = arith.constant 0 : index
    %swap3A_118 = arith.constant 0 : index
    %swap3A_119 = vector.load %arg15[%swap3A_116, %swap3A_117, %swap3A_118] : memref<8x256x64xf32, #tpu.memory_space<vmem>>, vector<1x256x64xf32>
    %swap3A_120 = vector.shape_cast %swap3A_119 : vector<1x256x64xf32> to vector<256x64xf32>
    %swap3A_121 = vector.shape_cast %slice3A_115 : vector<256x64xf32> to vector<1x256x64xf32>
    tpu.vector_store %arg15[%swap3A_116, %swap3A_117, %swap3A_118], %swap3A_121 {strides = array<i32>} : memref<8x256x64xf32, #tpu.memory_space<vmem>>, vector<1x256x64xf32>,
    %slice3A_122 = vector.extract_strided_slice %dot_general3A_66 {offsets = [0, 128], sizes = [256, 64], strides = [1, 1]} : vector<256x512xf32> to vector<256x64xf32>
    %swap3A_123 = arith.constant 2 : index
    %swap3A_124 = arith.constant 0 : index
    %swap3A_125 = arith.constant 0 : index
    %swap3A_126 = vector.load %arg16[%swap3A_123, %swap3A_124, %swap3A_125] : memref<8x256x64xf32, #tpu.memory_space<vmem>>, vector<1x256x64xf32>
    %swap3A_127 = vector.shape_cast %swap3A_126 : vector<1x256x64xf32> to vector<256x64xf32>
    %swap3A_128 = vector.shape_cast %slice3A_122 : vector<256x64xf32> to vector<1x256x64xf32>
    tpu.vector_store %arg16[%swap3A_123, %swap3A_124, %swap3A_125], %swap3A_128 {strides = array<i32>} : memref<8x256x64xf32, #tpu.memory_space<vmem>>, vector<1x256x64xf32>,
    %slice3A_129 = vector.extract_strided_slice %dot_general3A_56 {offsets = [0, 192], sizes = [256, 64], strides = [1, 1]} : vector<256x512xf32> to vector<256x64xf32>
    %swap3A_130 = arith.constant 3 : index
    %swap3A_131 = arith.constant 0 : index
    %swap3A_132 = arith.constant 0 : index
    %swap3A_133 = vector.load %arg14[%swap3A_130, %swap3A_131, %swap3A_132] : memref<8x256x64xf32, #tpu.memory_space<vmem>>, vector<1x256x64xf32>
    %swap3A_134 = vector.shape_cast %swap3A_133 : vector<1x256x64xf32> to vector<256x64xf32>
    %swap3A_135 = vector.shape_cast %slice3A_129 : vector<256x64xf32> to vector<1x256x64xf32>
    tpu.vector_store %arg14[%swap3A_130, %swap3A_131, %swap3A_132], %swap3A_135 {strides = array<i32>} : memref<8x256x64xf32, #tpu.memory_space<vmem>>, vector<1x256x64xf32>,
    %slice3A_136 = vector.extract_strided_slice %dot_general3A_61 {offsets = [0, 192], sizes = [256, 64], strides = [1, 1]} : vector<256x512xf32> to vector<256x64xf32>
    %swap3A_137 = arith.constant 3 : index
    %swap3A_138 = arith.constant 0 : index
    %swap3A_139 = arith.constant 0 : index
    %swap3A_140 = vector.load %arg15[%swap3A_137, %swap3A_138, %swap3A_139] : memref<8x256x64xf32, #tpu.memory_space<vmem>>, vector<1x256x64xf32>
    %swap3A_141 = vector.shape_cast %swap3A_140 : vector<1x256x64xf32> to vector<256x64xf32>
    %swap3A_142 = vector.shape_cast %slice3A_136 : vector<256x64xf32> to vector<1x256x64xf32>
    tpu.vector_store %arg15[%swap3A_137, %swap3A_138, %swap3A_139], %swap3A_142 {strides = array<i32>} : memref<8x256x64xf32, #tpu.memory_space<vmem>>, vector<1x256x64xf32>,
    %slice3A_143 = vector.extract_strided_slice %dot_general3A_66 {offsets = [0, 192], sizes = [256, 64], strides = [1, 1]} : vector<256x512xf32> to vector<256x64xf32>
    %swap3A_144 = arith.constant 3 : index
    %swap3A_145 = arith.constant 0 : index
    %swap3A_146 = arith.constant 0 : index
    %swap3A_147 = vector.load %arg16[%swap3A_144, %swap3A_145, %swap3A_146] : memref<8x256x64xf32, #tpu.memory_space<vmem>>, vector<1x256x64xf32>
    %swap3A_148 = vector.shape_cast %swap3A_147 : vector<1x256x64xf32> to vector<256x64xf32>
    %swap3A_149 = vector.shape_cast %slice3A_143 : vector<256x64xf32> to vector<1x256x64xf32>
    tpu.vector_store %arg16[%swap3A_144, %swap3A_145, %swap3A_146], %swap3A_149 {strides = array<i32>} : memref<8x256x64xf32, #tpu.memory_space<vmem>>, vector<1x256x64xf32>,
    %slice3A_150 = vector.extract_strided_slice %dot_general3A_56 {offsets = [0, 256], sizes = [256, 64], strides = [1, 1]} : vector<256x512xf32> to vector<256x64xf32>
    %swap3A_151 = arith.constant 4 : index
    %swap3A_152 = arith.constant 0 : index
    %swap3A_153 = arith.constant 0 : index
    %swap3A_154 = vector.load %arg14[%swap3A_151, %swap3A_152, %swap3A_153] : memref<8x256x64xf32, #tpu.memory_space<vmem>>, vector<1x256x64xf32>
    %swap3A_155 = vector.shape_cast %swap3A_154 : vector<1x256x64xf32> to vector<256x64xf32>
    %swap3A_156 = vector.shape_cast %slice3A_150 : vector<256x64xf32> to vector<1x256x64xf32>
    tpu.vector_store %arg14[%swap3A_151, %swap3A_152, %swap3A_153], %swap3A_156 {strides = array<i32>} : memref<8x256x64xf32, #tpu.memory_space<vmem>>, vector<1x256x64xf32>,
    %slice3A_157 = vector.extract_strided_slice %dot_general3A_61 {offsets = [0, 256], sizes = [256, 64], strides = [1, 1]} : vector<256x512xf32> to vector<256x64xf32>
    %swap3A_158 = arith.constant 4 : index
    %swap3A_159 = arith.constant 0 : index
    %swap3A_160 = arith.constant 0 : index
    %swap3A_161 = vector.load %arg15[%swap3A_158, %swap3A_159, %swap3A_160] : memref<8x256x64xf32, #tpu.memory_space<vmem>>, vector<1x256x64xf32>
    %swap3A_162 = vector.shape_cast %swap3A_161 : vector<1x256x64xf32> to vector<256x64xf32>
    %swap3A_163 = vector.shape_cast %slice3A_157 : vector<256x64xf32> to vector<1x256x64xf32>
    tpu.vector_store %arg15[%swap3A_158, %swap3A_159, %swap3A_160], %swap3A_163 {strides = array<i32>} : memref<8x256x64xf32, #tpu.memory_space<vmem>>, vector<1x256x64xf32>,
    %slice3A_164 = vector.extract_strided_slice %dot_general3A_66 {offsets = [0, 256], sizes = [256, 64], strides = [1, 1]} : vector<256x512xf32> to vector<256x64xf32>
    %swap3A_165 = arith.constant 4 : index
    %swap3A_166 = arith.constant 0 : index
    %swap3A_167 = arith.constant 0 : index
    %swap3A_168 = vector.load %arg16[%swap3A_165, %swap3A_166, %swap3A_167] : memref<8x256x64xf32, #tpu.memory_space<vmem>>, vector<1x256x64xf32>
    %swap3A_169 = vector.shape_cast %swap3A_168 : vector<1x256x64xf32> to vector<256x64xf32>
    %swap3A_170 = vector.shape_cast %slice3A_164 : vector<256x64xf32> to vector<1x256x64xf32>
    tpu.vector_store %arg16[%swap3A_165, %swap3A_166, %swap3A_167], %swap3A_170 {strides = array<i32>} : memref<8x256x64xf32, #tpu.memory_space<vmem>>, vector<1x256x64xf32>,
    %slice3A_171 = vector.extract_strided_slice %dot_general3A_56 {offsets = [0, 320], sizes = [256, 64], strides = [1, 1]} : vector<256x512xf32> to vector<256x64xf32>
    %swap3A_172 = arith.constant 5 : index
    %swap3A_173 = arith.constant 0 : index
    %swap3A_174 = arith.constant 0 : index
    %swap3A_175 = vector.load %arg14[%swap3A_172, %swap3A_173, %swap3A_174] : memref<8x256x64xf32, #tpu.memory_space<vmem>>, vector<1x256x64xf32>
    %swap3A_176 = vector.shape_cast %swap3A_175 : vector<1x256x64xf32> to vector<256x64xf32>
    %swap3A_177 = vector.shape_cast %slice3A_171 : vector<256x64xf32> to vector<1x256x64xf32>
    tpu.vector_store %arg14[%swap3A_172, %swap3A_173, %swap3A_174], %swap3A_177 {strides = array<i32>} : memref<8x256x64xf32, #tpu.memory_space<vmem>>, vector<1x256x64xf32>,
    %slice3A_178 = vector.extract_strided_slice %dot_general3A_61 {offsets = [0, 320], sizes = [256, 64], strides = [1, 1]} : vector<256x512xf32> to vector<256x64xf32>
    %swap3A_179 = arith.constant 5 : index
    %swap3A_180 = arith.constant 0 : index
    %swap3A_181 = arith.constant 0 : index
    %swap3A_182 = vector.load %arg15[%swap3A_179, %swap3A_180, %swap3A_181] : memref<8x256x64xf32, #tpu.memory_space<vmem>>, vector<1x256x64xf32>
    %swap3A_183 = vector.shape_cast %swap3A_182 : vector<1x256x64xf32> to vector<256x64xf32>
    %swap3A_184 = vector.shape_cast %slice3A_178 : vector<256x64xf32> to vector<1x256x64xf32>
    tpu.vector_store %arg15[%swap3A_179, %swap3A_180, %swap3A_181], %swap3A_184 {strides = array<i32>} : memref<8x256x64xf32, #tpu.memory_space<vmem>>, vector<1x256x64xf32>,
    %slice3A_185 = vector.extract_strided_slice %dot_general3A_66 {offsets = [0, 320], sizes = [256, 64], strides = [1, 1]} : vector<256x512xf32> to vector<256x64xf32>
    %swap3A_186 = arith.constant 5 : index
    %swap3A_187 = arith.constant 0 : index
    %swap3A_188 = arith.constant 0 : index
    %swap3A_189 = vector.load %arg16[%swap3A_186, %swap3A_187, %swap3A_188] : memref<8x256x64xf32, #tpu.memory_space<vmem>>, vector<1x256x64xf32>
    %swap3A_190 = vector.shape_cast %swap3A_189 : vector<1x256x64xf32> to vector<256x64xf32>
    %swap3A_191 = vector.shape_cast %slice3A_185 : vector<256x64xf32> to vector<1x256x64xf32>
    tpu.vector_store %arg16[%swap3A_186, %swap3A_187, %swap3A_188], %swap3A_191 {strides = array<i32>} : memref<8x256x64xf32, #tpu.memory_space<vmem>>, vector<1x256x64xf32>,
    %slice3A_192 = vector.extract_strided_slice %dot_general3A_56 {offsets = [0, 384], sizes = [256, 64], strides = [1, 1]} : vector<256x512xf32> to vector<256x64xf32>
    %swap3A_193 = arith.constant 6 : index
    %swap3A_194 = arith.constant 0 : index
    %swap3A_195 = arith.constant 0 : index
    %swap3A_196 = vector.load %arg14[%swap3A_193, %swap3A_194, %swap3A_195] : memref<8x256x64xf32, #tpu.memory_space<vmem>>, vector<1x256x64xf32>
    %swap3A_197 = vector.shape_cast %swap3A_196 : vector<1x256x64xf32> to vector<256x64xf32>
    %swap3A_198 = vector.shape_cast %slice3A_192 : vector<256x64xf32> to vector<1x256x64xf32>
    tpu.vector_store %arg14[%swap3A_193, %swap3A_194, %swap3A_195], %swap3A_198 {strides = array<i32>} : memref<8x256x64xf32, #tpu.memory_space<vmem>>, vector<1x256x64xf32>,
    %slice3A_199 = vector.extract_strided_slice %dot_general3A_61 {offsets = [0, 384], sizes = [256, 64], strides = [1, 1]} : vector<256x512xf32> to vector<256x64xf32>
    %swap3A_200 = arith.constant 6 : index
    %swap3A_201 = arith.constant 0 : index
    %swap3A_202 = arith.constant 0 : index
    %swap3A_203 = vector.load %arg15[%swap3A_200, %swap3A_201, %swap3A_202] : memref<8x256x64xf32, #tpu.memory_space<vmem>>, vector<1x256x64xf32>
    %swap3A_204 = vector.shape_cast %swap3A_203 : vector<1x256x64xf32> to vector<256x64xf32>
    %swap3A_205 = vector.shape_cast %slice3A_199 : vector<256x64xf32> to vector<1x256x64xf32>
    tpu.vector_store %arg15[%swap3A_200, %swap3A_201, %swap3A_202], %swap3A_205 {strides = array<i32>} : memref<8x256x64xf32, #tpu.memory_space<vmem>>, vector<1x256x64xf32>,
    %slice3A_206 = vector.extract_strided_slice %dot_general3A_66 {offsets = [0, 384], sizes = [256, 64], strides = [1, 1]} : vector<256x512xf32> to vector<256x64xf32>
    %swap3A_207 = arith.constant 6 : index
    %swap3A_208 = arith.constant 0 : index
    %swap3A_209 = arith.constant 0 : index
    %swap3A_210 = vector.load %arg16[%swap3A_207, %swap3A_208, %swap3A_209] : memref<8x256x64xf32, #tpu.memory_space<vmem>>, vector<1x256x64xf32>
    %swap3A_211 = vector.shape_cast %swap3A_210 : vector<1x256x64xf32> to vector<256x64xf32>
    %swap3A_212 = vector.shape_cast %slice3A_206 : vector<256x64xf32> to vector<1x256x64xf32>
    tpu.vector_store %arg16[%swap3A_207, %swap3A_208, %swap3A_209], %swap3A_212 {strides = array<i32>} : memref<8x256x64xf32, #tpu.memory_space<vmem>>, vector<1x256x64xf32>,
    %slice3A_213 = vector.extract_strided_slice %dot_general3A_56 {offsets = [0, 448], sizes = [256, 64], strides = [1, 1]} : vector<256x512xf32> to vector<256x64xf32>
    %swap3A_214 = arith.constant 7 : index
    %swap3A_215 = arith.constant 0 : index
    %swap3A_216 = arith.constant 0 : index
    %swap3A_217 = vector.load %arg14[%swap3A_214, %swap3A_215, %swap3A_216] : memref<8x256x64xf32, #tpu.memory_space<vmem>>, vector<1x256x64xf32>
    %swap3A_218 = vector.shape_cast %swap3A_217 : vector<1x256x64xf32> to vector<256x64xf32>
    %swap3A_219 = vector.shape_cast %slice3A_213 : vector<256x64xf32> to vector<1x256x64xf32>
    tpu.vector_store %arg14[%swap3A_214, %swap3A_215, %swap3A_216], %swap3A_219 {strides = array<i32>} : memref<8x256x64xf32, #tpu.memory_space<vmem>>, vector<1x256x64xf32>,
    %slice3A_220 = vector.extract_strided_slice %dot_general3A_61 {offsets = [0, 448], sizes = [256, 64], strides = [1, 1]} : vector<256x512xf32> to vector<256x64xf32>
    %swap3A_221 = arith.constant 7 : index
    %swap3A_222 = arith.constant 0 : index
    %swap3A_223 = arith.constant 0 : index
    %swap3A_224 = vector.load %arg15[%swap3A_221, %swap3A_222, %swap3A_223] : memref<8x256x64xf32, #tpu.memory_space<vmem>>, vector<1x256x64xf32>
    %swap3A_225 = vector.shape_cast %swap3A_224 : vector<1x256x64xf32> to vector<256x64xf32>
    %swap3A_226 = vector.shape_cast %slice3A_220 : vector<256x64xf32> to vector<1x256x64xf32>
    tpu.vector_store %arg15[%swap3A_221, %swap3A_222, %swap3A_223], %swap3A_226 {strides = array<i32>} : memref<8x256x64xf32, #tpu.memory_space<vmem>>, vector<1x256x64xf32>,
    %slice3A_227 = vector.extract_strided_slice %dot_general3A_66 {offsets = [0, 448], sizes = [256, 64], strides = [1, 1]} : vector<256x512xf32> to vector<256x64xf32>
    %swap3A_228 = arith.constant 7 : index
    %swap3A_229 = arith.constant 0 : index
    %swap3A_230 = arith.constant 0 : index
    %swap3A_231 = vector.load %arg16[%swap3A_228, %swap3A_229, %swap3A_230] : memref<8x256x64xf32, #tpu.memory_space<vmem>>, vector<1x256x64xf32>
    %swap3A_232 = vector.shape_cast %swap3A_231 : vector<1x256x64xf32> to vector<256x64xf32>
    %swap3A_233 = vector.shape_cast %slice3A_227 : vector<256x64xf32> to vector<1x256x64xf32>
    tpu.vector_store %arg16[%swap3A_228, %swap3A_229, %swap3A_230], %swap3A_233 {strides = array<i32>} : memref<8x256x64xf32, #tpu.memory_space<vmem>>, vector<1x256x64xf32>,
    return
  }
  func.func @transform_0(%arg0: i32) -> (i32, i32) {
    %c0_i32 = arith.constant 0 : i32
    %c0_i32_0 = arith.constant 0 : i32
    return %arg0, %c0_i32 : i32, i32
  }
  func.func @transform_1(%arg0: i32) -> (i32, i32) {
    %c0_i32 = arith.constant 0 : i32
    %c0_i32_0 = arith.constant 0 : i32
    return %arg0, %c0_i32 : i32, i32
  }
  func.func @transform_2(%arg0: i32) -> (i32, i32) {
    %c0_i32 = arith.constant 0 : i32
    %c0_i32_0 = arith.constant 0 : i32
    %c0_i32_1 = arith.constant 0 : i32
    return %c0_i32, %c0_i32_0 : i32, i32
  }
  func.func @transform_3(%arg0: i32) -> (i32, i32) {
    %c0_i32 = arith.constant 0 : i32
    %c0_i32_0 = arith.constant 0 : i32
    %c0_i32_1 = arith.constant 0 : i32
    return %c0_i32, %c0_i32_0 : i32, i32
  }
  func.func @transform_4(%arg0: i32) -> (i32, i32) {
    %c0_i32 = arith.constant 0 : i32
    %c0_i32_0 = arith.constant 0 : i32
    %c0_i32_1 = arith.constant 0 : i32
    return %c0_i32, %c0_i32_0 : i32, i32
  }
  func.func @transform_5(%arg0: i32) -> (i32, i32) {
    %c0_i32 = arith.constant 0 : i32
    %c0_i32_0 = arith.constant 0 : i32
    %c0_i32_1 = arith.constant 0 : i32
    return %c0_i32, %c0_i32_0 : i32, i32
  }
  func.func @transform_6(%arg0: i32) -> (i32, i32) {
    %c0_i32 = arith.constant 0 : i32
    %c0_i32_0 = arith.constant 0 : i32
    %c0_i32_1 = arith.constant 0 : i32
    return %c0_i32, %c0_i32_0 : i32, i32
  }
  func.func @transform_7(%arg0: i32) -> (i32, i32) {
    %c0_i32 = arith.constant 0 : i32
    %c0_i32_0 = arith.constant 0 : i32
    %c0_i32_1 = arith.constant 0 : i32
    return %c0_i32, %c0_i32_0 : i32, i32
  }
  func.func @transform_8(%arg0: i32) -> (i32, i32) {
    %c0_i32 = arith.constant 0 : i32
    %c0_i32_0 = arith.constant 0 : i32
    %c0_i32_1 = arith.constant 0 : i32
    return %c0_i32, %c0_i32_0 : i32, i32
  }
  func.func @transform_9(%arg0: i32) -> (i32, i32) {
    %c0_i32 = arith.constant 0 : i32
    %c0_i32_0 = arith.constant 0 : i32
    %c0_i32_1 = arith.constant 0 : i32
    return %c0_i32, %c0_i32_0 : i32, i32
  }
  func.func @transform_10(%arg0: i32) -> (i32, i32) {
    %c0_i32 = arith.constant 0 : i32
    %c0_i32_0 = arith.constant 0 : i32
    %c0_i32_1 = arith.constant 0 : i32
    return %c0_i32, %c0_i32_0 : i32, i32
  }
  func.func @transform_11(%arg0: i32) -> (i32, i32) {
    %c0_i32 = arith.constant 0 : i32
    %c0_i32_0 = arith.constant 0 : i32
    %c0_i32_1 = arith.constant 0 : i32
    return %c0_i32, %c0_i32_0 : i32, i32
  }
  func.func @transform_12(%arg0: i32) -> (i32, i32) {
    %c0_i32 = arith.constant 0 : i32
    %c0_i32_0 = arith.constant 0 : i32
    return %arg0, %c0_i32 : i32, i32
  }
  func.func @transform_13(%arg0: i32) -> (i32, i32, i32) {
    %c0_i32 = arith.constant 0 : i32
    %c0_i32_0 = arith.constant 0 : i32
    %c0_i32_1 = arith.constant 0 : i32
    return %c0_i32, %arg0, %c0_i32_0 : i32, i32, i32
  }
  func.func @transform_14(%arg0: i32) -> (i32, i32, i32) {
    %c0_i32 = arith.constant 0 : i32
    %c0_i32_0 = arith.constant 0 : i32
    %c0_i32_1 = arith.constant 0 : i32
    return %c0_i32, %arg0, %c0_i32_0 : i32, i32, i32
  }
  func.func @transform_15(%arg0: i32) -> (i32, i32, i32) {
    %c0_i32 = arith.constant 0 : i32
    %c0_i32_0 = arith.constant 0 : i32
    %c0_i32_1 = arith.constant 0 : i32
    return %c0_i32, %arg0, %c0_i32_0 : i32, i32, i32
  }
}

module attributes {stable_mosaic.version = 14 : i64} {
  func.func @_vq_body(%arg0: i32, %arg1: memref<8x256x64xf32, #tpu.memory_space<vmem>>, %arg2: memref<512x512xf32, #tpu.memory_space<vmem>>, %arg3: memref<1x512xf32, #tpu.memory_space<vmem>>, %arg4: memref<1024x512xf32, #tpu.memory_space<vmem>>, %arg5: memref<256x512xf32, #tpu.memory_space<vmem>>, %arg6: memref<1x1x256xi32, #tpu.memory_space<vmem>>) attributes {dimension_semantics = [#tpu.dimension_semantics<arbitrary>], iteration_bounds = array<i64: 8>, scalar_prefetch = 0 : i64, scratch_operands = 0 : i64, tpu.core_type = #tpu.core_type<tc>, window_params = [{transform_indices = @transform_0, window_bounds = array<i64: 8, 256, 64>}, {pipeline_mode = #tpu.pipeline_mode<synchronous>, transform_indices = @transform_1, window_bounds = array<i64: 512, 512>}, {pipeline_mode = #tpu.pipeline_mode<synchronous>, transform_indices = @transform_2, window_bounds = array<i64: 1, 512>}, {pipeline_mode = #tpu.pipeline_mode<synchronous>, transform_indices = @transform_3, window_bounds = array<i64: 1024, 512>}, {transform_indices = @transform_4, window_bounds = array<i64: 256, 512>}, {transform_indices = @transform_5, window_bounds = array<i64: 1, 1, 256>}]} {
    %get3A = arith.constant 0 : index
    %get3A_0 = arith.constant 0 : index
    %get3A_1 = arith.constant 0 : index
    %get3A_2 = vector.load %arg1[%get3A, %get3A_0, %get3A_1] : memref<8x256x64xf32, #tpu.memory_space<vmem>>, vector<1x256x64xf32>
    %get3A_3 = vector.shape_cast %get3A_2 : vector<1x256x64xf32> to vector<256x64xf32>
    %get3A_4 = arith.constant 1 : index
    %get3A_5 = arith.constant 0 : index
    %get3A_6 = arith.constant 0 : index
    %get3A_7 = vector.load %arg1[%get3A_4, %get3A_5, %get3A_6] : memref<8x256x64xf32, #tpu.memory_space<vmem>>, vector<1x256x64xf32>
    %get3A_8 = vector.shape_cast %get3A_7 : vector<1x256x64xf32> to vector<256x64xf32>
    %get3A_9 = arith.constant 2 : index
    %get3A_10 = arith.constant 0 : index
    %get3A_11 = arith.constant 0 : index
    %get3A_12 = vector.load %arg1[%get3A_9, %get3A_10, %get3A_11] : memref<8x256x64xf32, #tpu.memory_space<vmem>>, vector<1x256x64xf32>
    %get3A_13 = vector.shape_cast %get3A_12 : vector<1x256x64xf32> to vector<256x64xf32>
    %get3A_14 = arith.constant 3 : index
    %get3A_15 = arith.constant 0 : index
    %get3A_16 = arith.constant 0 : index
    %get3A_17 = vector.load %arg1[%get3A_14, %get3A_15, %get3A_16] : memref<8x256x64xf32, #tpu.memory_space<vmem>>, vector<1x256x64xf32>
    %get3A_18 = vector.shape_cast %get3A_17 : vector<1x256x64xf32> to vector<256x64xf32>
    %get3A_19 = arith.constant 4 : index
    %get3A_20 = arith.constant 0 : index
    %get3A_21 = arith.constant 0 : index
    %get3A_22 = vector.load %arg1[%get3A_19, %get3A_20, %get3A_21] : memref<8x256x64xf32, #tpu.memory_space<vmem>>, vector<1x256x64xf32>
    %get3A_23 = vector.shape_cast %get3A_22 : vector<1x256x64xf32> to vector<256x64xf32>
    %get3A_24 = arith.constant 5 : index
    %get3A_25 = arith.constant 0 : index
    %get3A_26 = arith.constant 0 : index
    %get3A_27 = vector.load %arg1[%get3A_24, %get3A_25, %get3A_26] : memref<8x256x64xf32, #tpu.memory_space<vmem>>, vector<1x256x64xf32>
    %get3A_28 = vector.shape_cast %get3A_27 : vector<1x256x64xf32> to vector<256x64xf32>
    %get3A_29 = arith.constant 6 : index
    %get3A_30 = arith.constant 0 : index
    %get3A_31 = arith.constant 0 : index
    %get3A_32 = vector.load %arg1[%get3A_29, %get3A_30, %get3A_31] : memref<8x256x64xf32, #tpu.memory_space<vmem>>, vector<1x256x64xf32>
    %get3A_33 = vector.shape_cast %get3A_32 : vector<1x256x64xf32> to vector<256x64xf32>
    %get3A_34 = arith.constant 7 : index
    %get3A_35 = arith.constant 0 : index
    %get3A_36 = arith.constant 0 : index
    %get3A_37 = vector.load %arg1[%get3A_34, %get3A_35, %get3A_36] : memref<8x256x64xf32, #tpu.memory_space<vmem>>, vector<1x256x64xf32>
    %get3A_38 = vector.shape_cast %get3A_37 : vector<1x256x64xf32> to vector<256x64xf32>
    %concatenate3A = tpu.concatenate %get3A_3, %get3A_8, %get3A_13, %get3A_18, %get3A_23, %get3A_28, %get3A_33, %get3A_38 in 1 : vector<256x64xf32>, vector<256x64xf32>, vector<256x64xf32>, vector<256x64xf32>, vector<256x64xf32>, vector<256x64xf32>, vector<256x64xf32>, vector<256x64xf32> -> vector<256x512xf32>
    %get3A_39 = arith.constant 0 : index
    %get3A_40 = arith.constant 0 : index
    %get3A_41 = vector.load %arg2[%get3A_39, %get3A_40] : memref<512x512xf32, #tpu.memory_space<vmem>>, vector<512x512xf32>
    %dot_general3A = arith.constant dense<0.000000e+00> : vector<256x512xf32>
    %dot_general3A_42 = tpu.matmul %concatenate3A, %get3A_41, %dot_general3A {dimension_numbers = #tpu.dot_dimension_numbers<[1], [0], [0], [1], [0, 0, 1, 1], [], []>, transpose_lhs_hint = false} : vector<256x512xf32>, vector<512x512xf32>, vector<256x512xf32> -> vector<256x512xf32>
    %get3A_43 = arith.constant 0 : index
    %get3A_44 = arith.constant 0 : index
    %get3A_45 = vector.load %arg3[%get3A_43, %get3A_44] : memref<1x512xf32, #tpu.memory_space<vmem>>, vector<1x512xf32>
    %add3A = vector.broadcast %get3A_45 : vector<1x512xf32> to vector<256x512xf32>
    %add3A_46 = arith.addf %dot_general3A_42, %add3A : vector<256x512xf32>
    %get3A_47 = arith.constant 0 : index
    %get3A_48 = arith.constant 0 : index
    %get3A_49 = vector.load %arg4[%get3A_47, %get3A_48] : memref<1024x512xf32, #tpu.memory_space<vmem>>, vector<1024x512xf32>
    %mul3A = arith.mulf %get3A_49, %get3A_49 : vector<1024x512xf32>
    %reduce_sum3A = arith.constant dense<0.000000e+00> : vector<1024xf32>
    %reduce_sum3A_50 = vector.multi_reduction <add>, %mul3A, %reduce_sum3A [1] : vector<1024x512xf32> to vector<1024xf32>
    %broadcast_in_dim3A = vector.shape_cast %reduce_sum3A_50 : vector<1024xf32> to vector<1x1024xf32>
    %mul3A_51 = arith.mulf %add3A_46, %add3A_46 : vector<256x512xf32>
    %reduce_sum3A_52 = arith.constant dense<0.000000e+00> : vector<256xf32>
    %reduce_sum3A_53 = vector.multi_reduction <add>, %mul3A_51, %reduce_sum3A_52 [1] : vector<256x512xf32> to vector<256xf32>
    %broadcast_in_dim3A_54 = vector.shape_cast %reduce_sum3A_53 : vector<256xf32> to vector<256x1xf32>
    %dot_general3A_55 = arith.constant dense<0.000000e+00> : vector<256x1024xf32>
    %dot_general3A_56 = tpu.matmul %add3A_46, %get3A_49, %dot_general3A_55 {dimension_numbers = #tpu.dot_dimension_numbers<[1], [1], [0], [0], [0, 0, 1, 0], [], []>, transpose_lhs_hint = false} : vector<256x512xf32>, vector<1024x512xf32>, vector<256x1024xf32> -> vector<256x1024xf32>
    %mul3A_57 = arith.constant 2.000000e+00 : f32
    %mul3A_58 = vector.broadcast %mul3A_57 : f32 to vector<256x1024xf32>
    %mul3A_59 = arith.mulf %mul3A_58, %dot_general3A_56 : vector<256x1024xf32>
    %sub3A = vector.broadcast %broadcast_in_dim3A_54 : vector<256x1xf32> to vector<256x1024xf32>
    %sub3A_60 = arith.subf %sub3A, %mul3A_59 : vector<256x1024xf32>
    %add3A_61 = vector.broadcast %broadcast_in_dim3A : vector<1x1024xf32> to vector<256x1024xf32>
    %add3A_62 = arith.addf %sub3A_60, %add3A_61 : vector<256x1024xf32>
    %reduce_min3A = arith.constant dense<0x7F800000> : vector<256xf32>
    %reduce_min3A_63 = vector.multi_reduction <minimumf>, %add3A_62, %reduce_min3A [1] : vector<256x1024xf32> to vector<256xf32>
    %broadcast_in_dim3A_64 = vector.shape_cast %reduce_min3A_63 : vector<256xf32> to vector<256x1xf32>
    %iota3A = tpu.iota {dimensions = array<i32: 1>} : vector<256x1024xi32>
    %eq3A = vector.broadcast %broadcast_in_dim3A_64 : vector<256x1xf32> to vector<256x1024xf32>
    %eq3A_65 = arith.cmpf oeq, %add3A_62, %eq3A : vector<256x1024xf32>
    %jit3A = arith.constant 1024 : i32
    %broadcast_in_dim3A_66 = vector.broadcast %jit3A : i32 to vector<256x1024xi32>
    %select_n3A = arith.select %eq3A_65, %iota3A, %broadcast_in_dim3A_66 : vector<256x1024xi1>, vector<256x1024xi32>
    %reduce_min3A_67 = arith.constant dense<2147483647> : vector<256xi32>
    %reduce_min3A_68 = vector.multi_reduction <minsi>, %select_n3A, %reduce_min3A_67 [1] : vector<256x1024xi32> to vector<256xi32>
    %swap3A = arith.constant 0 : index
    %swap3A_69 = arith.constant 0 : index
    %swap3A_70 = vector.load %arg5[%swap3A, %swap3A_69] : memref<256x512xf32, #tpu.memory_space<vmem>>, vector<256x512xf32>
    tpu.vector_store %arg5[%swap3A, %swap3A_69], %add3A_46 {strides = array<i32>} : memref<256x512xf32, #tpu.memory_space<vmem>>, vector<256x512xf32>,
    %swap3A_71 = arith.constant 0 : index
    %swap3A_72 = arith.constant 0 : index
    %swap3A_73 = arith.constant 0 : index
    %swap3A_74 = vector.load %arg6[%swap3A_71, %swap3A_72, %swap3A_73] : memref<1x1x256xi32, #tpu.memory_space<vmem>>, vector<1x1x256xi32>
    %swap3A_75 = vector.shape_cast %swap3A_74 : vector<1x1x256xi32> to vector<256xi32>
    %swap3A_76 = vector.shape_cast %reduce_min3A_68 : vector<256xi32> to vector<1x1x256xi32>
    tpu.vector_store %arg6[%swap3A_71, %swap3A_72, %swap3A_73], %swap3A_76 {strides = array<i32>} : memref<1x1x256xi32, #tpu.memory_space<vmem>>, vector<1x1x256xi32>,
    return
  }
  func.func @transform_0(%arg0: i32) -> (i32, i32, i32) {
    %c0_i32 = arith.constant 0 : i32
    %c0_i32_0 = arith.constant 0 : i32
    %c0_i32_1 = arith.constant 0 : i32
    return %c0_i32, %arg0, %c0_i32_0 : i32, i32, i32
  }
  func.func @transform_1(%arg0: i32) -> (i32, i32) {
    %c0_i32 = arith.constant 0 : i32
    %c0_i32_0 = arith.constant 0 : i32
    %c0_i32_1 = arith.constant 0 : i32
    return %c0_i32, %c0_i32_0 : i32, i32
  }
  func.func @transform_2(%arg0: i32) -> (i32, i32) {
    %c0_i32 = arith.constant 0 : i32
    %c0_i32_0 = arith.constant 0 : i32
    %c0_i32_1 = arith.constant 0 : i32
    return %c0_i32, %c0_i32_0 : i32, i32
  }
  func.func @transform_3(%arg0: i32) -> (i32, i32) {
    %c0_i32 = arith.constant 0 : i32
    %c0_i32_0 = arith.constant 0 : i32
    %c0_i32_1 = arith.constant 0 : i32
    return %c0_i32, %c0_i32_0 : i32, i32
  }
  func.func @transform_4(%arg0: i32) -> (i32, i32) {
    %c0_i32 = arith.constant 0 : i32
    %c0_i32_0 = arith.constant 0 : i32
    return %arg0, %c0_i32 : i32, i32
  }
  func.func @transform_5(%arg0: i32) -> (i32, i32, i32) {
    %c0_i32 = arith.constant 0 : i32
    %c0_i32_0 = arith.constant 0 : i32
    %c0_i32_1 = arith.constant 0 : i32
    return %arg0, %c0_i32, %c0_i32_0 : i32, i32, i32
  }
}

module attributes {stable_mosaic.version = 14 : i64} {
  func.func @_dec_body(%arg0: i32, %arg1: memref<256x512xf32, #tpu.memory_space<vmem>>, %arg2: memref<256x512xf32, #tpu.memory_space<vmem>>, %arg3: memref<256x512xf32, #tpu.memory_space<vmem>>, %arg4: memref<512x512xf32, #tpu.memory_space<vmem>>, %arg5: memref<512x512xf32, #tpu.memory_space<vmem>>, %arg6: memref<1x512xf32, #tpu.memory_space<vmem>>, %arg7: memref<512x1xf32, #tpu.memory_space<vmem>>, %arg8: memref<1x1xf32, #tpu.memory_space<vmem>>, %arg9: memref<256x1xf32, #tpu.memory_space<vmem>>, %arg10: memref<256x512xf32, #tpu.memory_space<vmem>>) attributes {dimension_semantics = [#tpu.dimension_semantics<arbitrary>], iteration_bounds = array<i64: 8>, scalar_prefetch = 0 : i64, scratch_operands = 0 : i64, tpu.core_type = #tpu.core_type<tc>, window_params = [{transform_indices = @transform_0, window_bounds = array<i64: 256, 512>}, {transform_indices = @transform_1, window_bounds = array<i64: 256, 512>}, {transform_indices = @transform_2, window_bounds = array<i64: 256, 512>}, {pipeline_mode = #tpu.pipeline_mode<synchronous>, transform_indices = @transform_3, window_bounds = array<i64: 512, 512>}, {pipeline_mode = #tpu.pipeline_mode<synchronous>, transform_indices = @transform_4, window_bounds = array<i64: 512, 512>}, {pipeline_mode = #tpu.pipeline_mode<synchronous>, transform_indices = @transform_5, window_bounds = array<i64: 1, 512>}, {pipeline_mode = #tpu.pipeline_mode<synchronous>, transform_indices = @transform_6, window_bounds = array<i64: 512, 1>}, {pipeline_mode = #tpu.pipeline_mode<synchronous>, transform_indices = @transform_7, window_bounds = array<i64: 1, 1>}, {transform_indices = @transform_8, window_bounds = array<i64: 256, 1>}, {transform_indices = @transform_9, window_bounds = array<i64: 256, 512>}]} {
    %get3A = arith.constant 0 : index
    %get3A_0 = arith.constant 0 : index
    %get3A_1 = vector.load %arg2[%get3A, %get3A_0] : memref<256x512xf32, #tpu.memory_space<vmem>>, vector<256x512xf32>
    %get3A_2 = arith.constant 0 : index
    %get3A_3 = arith.constant 0 : index
    %get3A_4 = vector.load %arg3[%get3A_2, %get3A_3] : memref<256x512xf32, #tpu.memory_space<vmem>>, vector<256x512xf32>
    %sub3A = arith.subf %get3A_4, %get3A_1 : vector<256x512xf32>
    %add3A = arith.addf %get3A_1, %sub3A : vector<256x512xf32>
    %get3A_5 = arith.constant 0 : index
    %get3A_6 = arith.constant 0 : index
    %get3A_7 = vector.load %arg1[%get3A_5, %get3A_6] : memref<256x512xf32, #tpu.memory_space<vmem>>, vector<256x512xf32>
    %get3A_8 = arith.constant 0 : index
    %get3A_9 = arith.constant 0 : index
    %get3A_10 = vector.load %arg4[%get3A_8, %get3A_9] : memref<512x512xf32, #tpu.memory_space<vmem>>, vector<512x512xf32>
    %dot_general3A = arith.constant dense<0.000000e+00> : vector<256x512xf32>
    %dot_general3A_11 = tpu.matmul %get3A_7, %get3A_10, %dot_general3A {dimension_numbers = #tpu.dot_dimension_numbers<[1], [0], [0], [1], [0, 0, 1, 1], [], []>, transpose_lhs_hint = false} : vector<256x512xf32>, vector<512x512xf32>, vector<256x512xf32> -> vector<256x512xf32>
    %get3A_12 = arith.constant 0 : index
    %get3A_13 = arith.constant 0 : index
    %get3A_14 = vector.load %arg5[%get3A_12, %get3A_13] : memref<512x512xf32, #tpu.memory_space<vmem>>, vector<512x512xf32>
    %dot_general3A_15 = arith.constant dense<0.000000e+00> : vector<256x512xf32>
    %dot_general3A_16 = tpu.matmul %add3A, %get3A_14, %dot_general3A_15 {dimension_numbers = #tpu.dot_dimension_numbers<[1], [0], [0], [1], [0, 0, 1, 1], [], []>, transpose_lhs_hint = false} : vector<256x512xf32>, vector<512x512xf32>, vector<256x512xf32> -> vector<256x512xf32>
    %add3A_17 = arith.addf %dot_general3A_11, %dot_general3A_16 : vector<256x512xf32>
    %get3A_18 = arith.constant 0 : index
    %get3A_19 = arith.constant 0 : index
    %get3A_20 = vector.load %arg6[%get3A_18, %get3A_19] : memref<1x512xf32, #tpu.memory_space<vmem>>, vector<1x512xf32>
    %add3A_21 = vector.broadcast %get3A_20 : vector<1x512xf32> to vector<256x512xf32>
    %add3A_22 = arith.addf %add3A_17, %add3A_21 : vector<256x512xf32>
    %ge3A = arith.constant 0.000000e+00 : f32
    %ge3A_23 = vector.broadcast %ge3A : f32 to vector<256x512xf32>
    %ge3A_24 = arith.cmpf oge, %add3A_22, %ge3A_23 : vector<256x512xf32>
    %mul3A = arith.constant 0.00999999977 : f32
    %mul3A_25 = vector.broadcast %mul3A : f32 to vector<256x512xf32>
    %mul3A_26 = arith.mulf %mul3A_25, %add3A_22 : vector<256x512xf32>
    %select_n3A = arith.select %ge3A_24, %add3A_22, %mul3A_26 : vector<256x512xi1>, vector<256x512xf32>
    %get3A_27 = arith.constant 0 : index
    %get3A_28 = arith.constant 0 : index
    %get3A_29 = vector.load %arg7[%get3A_27, %get3A_28] : memref<512x1xf32, #tpu.memory_space<vmem>>, vector<512x1xf32>
    %dot_general3A_30 = arith.constant dense<0.000000e+00> : vector<256x1xf32>
    %dot_general3A_31 = tpu.matmul %select_n3A, %get3A_29, %dot_general3A_30 {dimension_numbers = #tpu.dot_dimension_numbers<[1], [0], [0], [1], [0, 0, 1, 1], [], []>, transpose_lhs_hint = false} : vector<256x512xf32>, vector<512x1xf32>, vector<256x1xf32> -> vector<256x1xf32>
    %get3A_32 = arith.constant 0 : index
    %get3A_33 = arith.constant 0 : index
    %get3A_34 = vector.load %arg8[%get3A_32, %get3A_33] : memref<1x1xf32, #tpu.memory_space<vmem>>, vector<1x1xf32>
    %add3A_35 = vector.broadcast %get3A_34 : vector<1x1xf32> to vector<256x1xf32>
    %add3A_36 = arith.addf %dot_general3A_31, %add3A_35 : vector<256x1xf32>
    %swap3A = arith.constant 0 : index
    %swap3A_37 = arith.constant 0 : index
    %swap3A_38 = vector.load %arg9[%swap3A, %swap3A_37] : memref<256x1xf32, #tpu.memory_space<vmem>>, vector<256x1xf32>
    tpu.vector_store %arg9[%swap3A, %swap3A_37], %add3A_36 {strides = array<i32>} : memref<256x1xf32, #tpu.memory_space<vmem>>, vector<256x1xf32>,
    %swap3A_39 = arith.constant 0 : index
    %swap3A_40 = arith.constant 0 : index
    %swap3A_41 = vector.load %arg10[%swap3A_39, %swap3A_40] : memref<256x512xf32, #tpu.memory_space<vmem>>, vector<256x512xf32>
    tpu.vector_store %arg10[%swap3A_39, %swap3A_40], %add3A {strides = array<i32>} : memref<256x512xf32, #tpu.memory_space<vmem>>, vector<256x512xf32>,
    return
  }
  func.func @transform_0(%arg0: i32) -> (i32, i32) {
    %c0_i32 = arith.constant 0 : i32
    %c0_i32_0 = arith.constant 0 : i32
    return %arg0, %c0_i32 : i32, i32
  }
  func.func @transform_1(%arg0: i32) -> (i32, i32) {
    %c0_i32 = arith.constant 0 : i32
    %c0_i32_0 = arith.constant 0 : i32
    return %arg0, %c0_i32 : i32, i32
  }
  func.func @transform_2(%arg0: i32) -> (i32, i32) {
    %c0_i32 = arith.constant 0 : i32
    %c0_i32_0 = arith.constant 0 : i32
    return %arg0, %c0_i32 : i32, i32
  }
  func.func @transform_3(%arg0: i32) -> (i32, i32) {
    %c0_i32 = arith.constant 0 : i32
    %c0_i32_0 = arith.constant 0 : i32
    %c0_i32_1 = arith.constant 0 : i32
    return %c0_i32, %c0_i32_0 : i32, i32
  }
  func.func @transform_4(%arg0: i32) -> (i32, i32) {
    %c0_i32 = arith.constant 0 : i32
    %c0_i32_0 = arith.constant 0 : i32
    %c0_i32_1 = arith.constant 0 : i32
    return %c0_i32, %c0_i32_0 : i32, i32
  }
  func.func @transform_5(%arg0: i32) -> (i32, i32) {
    %c0_i32 = arith.constant 0 : i32
    %c0_i32_0 = arith.constant 0 : i32
    %c0_i32_1 = arith.constant 0 : i32
    return %c0_i32, %c0_i32_0 : i32, i32
  }
  func.func @transform_6(%arg0: i32) -> (i32, i32) {
    %c0_i32 = arith.constant 0 : i32
    %c0_i32_0 = arith.constant 0 : i32
    %c0_i32_1 = arith.constant 0 : i32
    return %c0_i32, %c0_i32_0 : i32, i32
  }
  func.func @transform_7(%arg0: i32) -> (i32, i32) {
    %c0_i32 = arith.constant 0 : i32
    %c0_i32_0 = arith.constant 0 : i32
    %c0_i32_1 = arith.constant 0 : i32
    return %c0_i32, %c0_i32_0 : i32, i32
  }
  func.func @transform_8(%arg0: i32) -> (i32, i32) {
    %c0_i32 = arith.constant 0 : i32
    %c0_i32_0 = arith.constant 0 : i32
    return %arg0, %c0_i32 : i32, i32
  }
  func.func @transform_9(%arg0: i32) -> (i32, i32) {
    %c0_i32 = arith.constant 0 : i32
    %c0_i32_0 = arith.constant 0 : i32
    return %arg0, %c0_i32 : i32, i32
  }
}

</mosaic_0001>

<sc_bundles>
// kernel: kernel.7.cloned.1.call-start
scs
__scs_entry_jumppad:
0x0: {  	(pc) =	sbr.rel $0x88, $3  }
0x1: {  	(tag) =	ssettag $0x0;
	lr =	simm.s32 $0x1  }
0x2: {  	[smem:$0x3F8F] =	sst lr;
	_ =	strace $0xD0000000  }
0x3: {  	_ = 	snop  }
0x4: {  	_ = 	snop  }
0x5: {  	_ = 	snop  }
0x6: {  	_ = 	snop  }
0x7: {  	_ = 	snop  }
__scs_overlays_trampoline_lowered:
0x8: {  	[smem:$0x3F9E] =	sst s0  }
0x9: {  	[smem:$0x3F9F] =	sst s1  }
0xa: {  	[smem:$0x3FA0] =	sst s2  }
0xb: {  	[smem:$0x3FA1] =	sst s3  }
0xc: {  	[smem:$0x3FA2] =	sst s4  }
0xd: {  	[smem:$0x3FA3] =	sst s5  }
0xe: {  	[smem:$0x3FA4] =	sst s6  }
0xf: {  	[smem:$0x3FA5] =	sst s7  }
0x10: {  	[smem:$0x3FA6] =	sst s8  }
0x11: {  	[smem:$0x3FA7] =	sst s9;
	s0 =	simm.s32 @!p0 $0x0  }
0x12: {  	s1 =	sld [smem:$0x3F8D];
	s0 =	simm.s32 @p0 $0x1  }
0x13: {  	[smem:$0x3FA8] =	sst s0;
	s0 =	simm.s32 @!p1 $0x0  }
0x14: {  	s2 =	sld [smem:$0x3F8C];
	s0 =	simm.s32 @p1 $0x1  }
0x15: {  	[smem:$0x3FA9] =	sst s0;
	s0 =	simm.s32 @!p2 $0x0  }
0x16: {  	s3 =	sld [smem:$0x3FDB];
	s0 =	simm.s32 @p2 $0x1  }
0x17: {  	s4 =	simm.s32 $0x1BF5;
	[smem:$0x3FAB] =	sst s0  }
0x18: {  	s0 =	sld [smem:$0x3F8E];
	_ =	swait.ge [sflag:s4], $0x0  }
0x19: {  	s7 =	sld [smem:$0x3F8F]  }
0x1a: {  	s8 =	sadd.s32 $0xFFFFE003, lr  }
0x1b: {  	s9 =	sadd.s32 $0xFFFFFEF7, lr;
	s5 =	simm.s32 $0xFFFFFFFF;
	p2 =	slt.u32 s8, $0xFFFFF086  }
0x1c: {  	p1 =	slt.u32 s9, $0xF7A;
	s5 =	simm.s32 @!p2 $0x0  }
0x1d: {  	s5 =	simm.s32 @p1 $0x1;
	p0 =	seq.s32 s7, s2  }
0x1e: {  	s7 =	smul.u32 @!p0 $0xF7A, s2;
	p2 =	seq.s32 @!p0 s5, $0x0  }
0x1f: {  	s9 =	smul.u32 $0xF7A, s1;
	s8 =	simm.s32 @!p0 $0x1BF5;
	p2 =	por !p2, p0  }
0x20: {  	[sflag:s8] =	ssyncset.s32 @!p0 $0xFFFFF086;
	s6 =	sadd.s32 @!p0 s3, s7;
	s7 =	simm.s32 @!p0 $0x108  }
0x21: {  	s3 =	sadd.s32 s3, s9;
	s6 =	sadd.s32 @!p0 $0x88, s6;
	s7 =	simm.s32 @p2 $0x1082  }
0x22: {  	[simem:s7], [sflag:s8] =	dma.local @!p0 [hbm:s6], $0xF7A  }
0x23: {  	s9 =	sor.u32 $0xD0000000, s2;
	s6 =	simm.s32 $0x108;
	_ =	swait.ge @!p0 [sflag:s8], $0x0  }
0x24: {  	s3 =	sadd.s32 $0x88, s3;
	s6 =	simm.s32 @!p1 $0x1082;
	[sflag:s4] =	ssyncset.s32 $0xFFFFF086  }
0x25: {  	[simem:s6], [sflag:s4] =	dma.local [hbm:s3], $0xF7A  }
0x26: {  	[smem:$0x3F8F] =	sst s1;
	(tag) =	ssettag s2;
	_ =	strace s9  }
0x27: {  	s1 =	sld [smem:$0x3F9F]  }
0x28: {  	s2 =	sld [smem:$0x3FA0]  }
0x29: {  	s4 =	sld [smem:$0x3FA2]  }
0x2a: {  	p0 =	seq.s32 s5, $0x0;
	s5 =	sld [smem:$0x3FA3]  }
0x2b: {  	s6 =	sld [smem:$0x3FA4]  }
0x2c: {  	s7 =	sld [smem:$0x3FA5]  }
0x2d: {  	s3 =	simm.s32 $0x108;
	s8 =	sld [smem:$0x3FA6]  }
0x2e: {  	s3 =	simm.s32 @!p0 $0x1082;
	s9 =	sld [smem:$0x3FA7]  }
0x2f: {  	lr =	sadd.s32 s0, s3;
	s0 =	sld [smem:$0x3F9E]  }
0x30: {  	s3 =	sld [smem:$0x3FA1]  }
0x31: {  	[smem:$0x3FAA] =	sst s10  }
0x32: {  	s10 =	sld [smem:$0x3FA8];
	_ =	sdelay $0x3  }
0x33: {  	p0 =	seq.s32 s10, $0x1;
	s10 =	sld [smem:$0x3FAA];
	_ =	sdelay $0x3  }
0x34: {  	[smem:$0x3FAA] =	sst s10  }
0x35: {  	s10 =	sld [smem:$0x3FA9];
	_ =	sdelay $0x3  }
0x36: {  	p1 =	seq.s32 s10, $0x1;
	s10 =	sld [smem:$0x3FAA];
	_ =	sdelay $0x3  }
0x37: {  	[smem:$0x3FAA] =	sst s10  }
0x38: {  	s10 =	sld [smem:$0x3FAB]  }
0x39: {  	_ = 	snop;
	(pc) =	sbr.ind lr, $3  }
0x3a: {  	_ = 	snop  }
0x3b: {  	_ = 	snop  }
0x3c: {  	p2 =	seq.s32 s10, $0x1;
	s10 =	sld [smem:$0x3FAA]  }
0x3d: {  	_ =	shalt  }
0x3e: {  	_ =	shalt  }
0x3f: {  	_ =	shalt  }
0x40: {  	_ =	shalt  }
0x41: {  	_ =	shalt  }
0x42: {  	_ =	shalt  }
0x43: {  	_ =	shalt  }
0x44: {  	_ =	shalt  }
0x45: {  	_ =	shalt  }
0x46: {  	_ =	shalt  }
0x47: {  	_ =	shalt  }
0x48: {  	_ =	shalt  }
0x49: {  	_ =	shalt  }
0x4a: {  	_ =	shalt  }
0x4b: {  	_ =	shalt  }
0x4c: {  	_ =	shalt  }
0x4d: {  	_ =	shalt  }
0x4e: {  	_ =	shalt  }
0x4f: {  	_ =	shalt  }
0x50: {  	_ =	shalt  }
0x51: {  	_ =	shalt  }
0x52: {  	_ =	shalt  }
0x53: {  	_ =	shalt  }
0x54: {  	_ =	shalt  }
0x55: {  	_ =	shalt  }
0x56: {  	_ =	shalt  }
0x57: {  	_ =	shalt  }
0x58: {  	_ =	shalt  }
0x59: {  	_ =	shalt  }
0x5a: {  	_ =	shalt  }
0x5b: {  	_ =	shalt  }
0x5c: {  	_ =	shalt  }
0x5d: {  	_ =	shalt  }
0x5e: {  	_ =	shalt  }
0x5f: {  	_ =	shalt  }
0x60: {  	_ =	shalt  }
0x61: {  	_ =	shalt  }
0x62: {  	_ =	shalt  }
0x63: {  	_ =	shalt  }
0x64: {  	_ =	shalt  }
0x65: {  	_ =	shalt  }
0x66: {  	_ =	shalt  }
0x67: {  	_ =	shalt  }
0x68: {  	_ =	shalt  }
0x69: {  	_ =	shalt  }
0x6a: {  	_ =	shalt  }
0x6b: {  	_ =	shalt  }
0x6c: {  	_ =	shalt  }
0x6d: {  	_ =	shalt  }
0x6e: {  	_ =	shalt  }
0x6f: {  	_ =	shalt  }
0x70: {  	_ =	shalt  }
0x71: {  	_ =	shalt  }
0x72: {  	_ =	shalt  }
0x73: {  	_ =	shalt  }
0x74: {  	_ =	shalt  }
0x75: {  	_ =	shalt  }
0x76: {  	_ =	shalt  }
0x77: {  	_ =	shalt  }
0x78: {  	_ =	shalt  }
0x79: {  	_ =	shalt  }
0x7a: {  	_ =	shalt  }
0x7b: {  	_ =	shalt  }
0x7c: {  	_ =	shalt  }
0x7d: {  	_ =	shalt  }
0x7e: {  	_ =	shalt  }
0x7f: {  	_ =	shalt  }
0x80: {  	_ =	shalt  }
0x81: {  	_ =	shalt  }
0x82: {  	_ =	shalt  }
0x83: {  	_ =	shalt  }
0x84: {  	_ =	shalt  }
0x85: {  	_ =	shalt  }
0x86: {  	_ =	shalt  }
0x87: {  	_ =	shalt  }
.Lfunc_end0:
.L_simem_size_0:
called_computation_lowered:
.L_overlay_start_0:
0x88: {  	s2 =	sld [smem:$0x3FD9]  }
0x89: {  	s3 =	sld [smem:$0x3FFE];
	_ =	sdelay $0x1  }
0x8a: {  	s1 =	srdreg.scid  }
0x8b: {  	s0 =	sand.u32 $0x1, s1  }
0x8c: {  	s15 =	sshll.u32 s0, $0xA;
	s2 =	sadd.s32 s3, s2  }
0x8d: {  	s2 =	sadd.s32 s2, s15  }
0x8e: {  	[smem:$0x3FB6] =	sst s2  }
0x8f: {  	_ = 	snop  }
0x90: {  	s2 =	sld [smem:$0x3FD0];
	_ =	sdelay $0x2  }
0x91: {  	s4 =	simm.s32 $0xA;
	s5 =	simm.s32 $0x10;
	s16 =	sld [smem:$0x3FBC]  }
0x92: {  	[smem:s5], [sflag:s4] =	dma.local [hbm:s2], $0x1  }
0x93: {  	_ =	swait.eq [sflag:s4], $0x1  }
0x94: {  	[sflag:s4] =	ssyncset.done $0x0  }
0x95: {  	s17 =	sld [smem:$0x11];
	[sflag:s4] =	ssyncadd.s32 $0xFFFFFFFF  }
0x96: {  	s18 =	sld [smem:$0x12];
	(tm) =	ssettm $0x1  }
0x97: {  	s19 =	sld [smem:$0x3FFB];
	_ =	sdelay $0x3  }
0x98: {  	_ =	strace s19  }
0x99: {  	s5 =	sld [smem:$0x3FFC];
	_ =	sdelay $0x3  }
0x9a: {  	_ =	strace s5  }
0x9b: {  	s5 =	sld [smem:$0x3FFD];
	_ =	sdelay $0x3  }
0x9c: {  	_ =	strace s5  }
0x9d: {  	_ =	strace $0x8FFFFFFF  }
0x9e: {  	s20 =	sld [smem:$0x3FDB];
	_ =	sdelay $0x1  }
0x9f: {  	s6 =	simm.s32 $_scs_section_size  }
0xa0: {  	s7 =	simm.s32 $_size__tile_overlayer_lowered;
	s8 =	simm.s32 $_tile_overlayer_lowered  }
0xa1: {  	s23 =	simm.s32 $0x1BFF;
	s22 =	sshll.u32 s8, $0x1;
	s5 =	sadd.s32 s6, s20  }
0xa2: {  	s9 =	simm.s32 $0x0;
	s21 =	sshll.u32 s7, $0x1;
	s7 =	sadd.s32 s22, s5  }
0xa3: {  	[timem:s9], [sflag:s23] =	dma.local [hbm:s7], s21  }
0xa4: {  	_ =	swait.ge [sflag:s23], s21  }
0xa5: {  	s6 =	ssub.s32 $0x0, s21;
	[sflag:s23] =	ssyncset.done $0x0  }
0xa6: {  	[sflag:s23] =	ssyncadd.s32 s6;
	_ =	sdelay $0x1  }
0xa7: {  	s24 =	simm.s32 $0x1B8B  }
0xa8: {  	_ =	swait.ge [sflag:s24], $0x1  }
0xa9: {  	[sflag:s24] =	ssyncset.done $0x0  }
0xaa: {  	s25 =	simm.s32 $0x1B8E;
	[sflag:s24] =	ssyncadd.s32 $0xFFFFFFFF  }
0xab: {  	s26 =	simm.s32 $execute0_lowered;
	[smem:$0x3FD2] =	sst s25  }
0xac: {  	s6 =	sshll.u32 s26, $0x1;
	_ =	strace $0x80000046;
	[dreg:$0x1] =	wrdreg $0xFFFFFFFF  }
0xad: {  	s28 =	simm.s32 $_size_execute0_lowered;
	s5 =	sadd.s32 s5, s6;
	[dreg:$0x0] =	wrdreg $0x0  }
0xae: {  	s6 =	sshll.u32 s28, $0x1;
	[dreg:$0x2] =	wrdreg s5  }
0xaf: {  	[dreg:$0x3] =	wrdreg s6  }
0xb0: {  	[dreg:$0x4] =	wrdreg $0xC0  }
0xb1: {  	_ =	task [dreg:s9], $0x5FFFF  }
0xb2: {  	[dreg:$0x1] =	wrdreg $0xFFFFFFFF  }
0xb3: {  	[dreg:$0x0] =	wrdreg $0x60  }
0xb4: {  	[dreg:$0x2] =	wrdreg s16  }
0xb5: {  	[dreg:$0x3] =	wrdreg s18  }
0xb6: {  	[dreg:$0x4] =	wrdreg s17  }
0xb7: {  	[dreg:$0x5] =	wrdreg $0x9  }
0xb8: {  	_ =	task.clear_ibuf [dreg:s9], $0x6FFFF;
	_ =	strace $0x90000046  }
0xb9: {  	s29 =	simm.s32 $0x9;
	_ =	strace $0x80000048  }
0xba: {  	_ =	swait.ge [sflag:s29], $0x1  }
0xbb: {  	[sflag:s29] =	ssyncadd.s32 $0xFFFFFFFF  }
0xbc: {  	_ =	strace $0x90000048  }
0xbd: {  	_ =	sfence  }
0xbe: {  	s30 =	sld [smem:$0x0];
	_ =	sdelay $0x2  }
0xbf: {  	s31 =	sshll.u32 s1, $0xD;
	s1 =	sshrl.u32 s1, $0x2  }
0xc0: {  	s3 =	sand.u32 $0x4000, s31;
	s1 =	sadd.s32 s1, s30  }
0xc1: {  	s0 =	sor.u32 s3, s0;
	s1 =	sshll.u32 s1, $0x11  }
0xc2: {  	s0 =	sor.u32 s1, s0  }
0xc3: {  	s0 =	sadd.s32 $0x8F2B, s0  }
0xc4: {  	[sflag:s0] =	ssyncadd.remote.s32 $0x1  }
0xc5: {  	_ =	sfence.sel $0xFFFF  }
0xc6: {  	[dreg:$0x0] =	wrdreg $0xFFFFFFFF;
	(pc) =	sbr.abs _section_cstart, $3  }
0xc7: {  	[dreg:$0x1] =	wrdreg $0xFFFFFFFF  }
0xc8: {  	_ =	task.clear_ibuf [dreg:s9], $0x2FFFF;
	_ =	strace $0x9FFFFFFF  }
0xc9: {  	(tm) =	ssettm $0x7FFFFFFF  }
tec
execute0_lowered:
.L_overlay_start_1:
0x0: {  	(tag) =	ssettag $0x1  }
0x1: {  	s1 =	rddreg [dreg:$0x0]  }
0x2: {  	s4 =	rddreg [dreg:$0x1]  }
0x3: {  	s6 =	rddreg [dreg:$0x2];
	s3 =	srdreg.scid  }
0x4: {  	s0 =	rddreg [dreg:$0x3];
	s2 =	stileid.u32;
	s10 =	simm.s32 $0x880  }
0x5: {  	s11 =	simm.s32 $0x1080;
	s12 =	simm.s32 $0x1880;
	s13 =	simm.s32 $0x2080  }
0x6: {  	s14 =	simm.s32 $0x2880;
	s15 =	simm.s32 $0x3080;
	s16 =	simm.s32 $0x3880  }
0x7: {  	s17 =	simm.s32 $0x4080;
	s18 =	simm.s32 $0x4880;
	s19 =	simm.s32 $0x5080  }
0x8: {  	s20 =	simm.s32 $0x5880;
	s21 =	simm.s32 $0x6080;
	s22 =	simm.s32 $0x6880  }
0x9: {  	s23 =	simm.s32 $0x7080;
	s24 =	simm.s32 $0x7880;
	s25 =	simm.s32 $0x1  }
0xa: {  	s5 =	sand.u32 $0x1, s3;
	s3 =	simm.s32 $0x0;
	s7 =	sshll.u32 s2, $0x7  }
0xb: {  	s8 =	sshll.u32 s5, $0x6;
	[smem:$0x7FF] =	sst s3;
	s5 =	ssub.s32 $0x2, s5  }
0xc: {  	s7 =	sor.u32 s8, s7;
	_ =	strace $0x80000047;
	s31 =	sshrl.u32 s5, $0x1  }
0xd: {  	v2 =	vlaneseq.u32;
	s9 =	sshrl.u32 s7, $0x3;
	s8 =	ssub.s32 s5, s31;
	s7 =	sshll.u32 s7, $0x6  }
0xe: {  	vm0 =	vmmov $0xffff;
	v1 =	vshrl.u32 v2, $0x3;
	s5 =	sadd.s32 $0x100, s1;
	s4 =	sadd.s32 s4, s9;
	s6 =	sadd.s32 s6, s7  }
0xf: {  	v0 =	vand.u32 $0x7, v2;
	v2 =	vor.u32 $0x8, v2;
	v1 =	vmul.u32 $0x8, v1;
	s7 =	smax.u32 s8, $0x1;
	s8 =	simm.s32 $0x2;
	s9 =	simm.s32 $0x80  }
.LBB2_1:
0x10: {  	[tilespmem:s3], [sflag:$0x2] =	stream.linear.gather [hbm4b:s4+s3], $0x40, $0x38;
	[tilespmem:$0x8080] =	vst v63  }
0x11: {  	_ =	swait.ge [sflag:s8], $0x40  }
0x12: {  	[sflag:s8] =	ssyncset.done $0x0  }
0x13: {  	[sflag:s8] =	ssyncadd.s32 $0xFFFFFFC0  }
0x14: {  	v3 =	vld [tilespmem:$0x0];
	_ =	sdelay $0x4  }
0x15: {  	v4 =	vshll.u32 v3, $0x2  }
0x16: {  	v3 =	vand.u32 $0x7, v3;
	v4 =	vand.u32 $0xFFFFFFE0, v4  }
0x17: {  	v3 =	vor.u32 v3, v4  }
0x18: {  	v4 =	vperm.xlane v3, v0;
	_ =	sdelay $0x1  }
0x19: {  	v4 =	vadd.s32 v1, v4;
	_ =	sdelay $0x1  }
0x1a: {  	v3 =	vperm.xlane v3, v2;
	_ =	sdelay $0x1  }
0x1b: {  	v3 =	vadd.s32 v1, v3  }
0x1c: {  	[tilespmem:s9], [sflag:$0x1] =	stream.indirect_vreg.gather [hbm4b:s1+s3], $0x80, v4, vm0, $0xb8;
	[tilespmem:$0x8080] =	vst v63  }
0x1d: {  	_ = 	snop  }
0x1e: {  	[tilespmem:s10], [sflag:$0x1] =	stream.indirect_vreg.gather [hbm4b:s5+s3], $0x80, v4, vm0, $0xb8;
	[tilespmem:$0x8080] =	vst v63  }
0x1f: {  	_ = 	snop  }
0x20: {  	[tilespmem:s11], [sflag:$0x1] =	stream.indirect_vreg.gather [hbm4b:s1+s3], $0x80, v3, vm0, $0xb8;
	[tilespmem:$0x8080] =	vst v63  }
0x21: {  	_ = 	snop  }
0x22: {  	[tilespmem:s12], [sflag:$0x1] =	stream.indirect_vreg.gather [hbm4b:s5+s3], $0x80, v3, vm0, $0xb8;
	[tilespmem:$0x8080] =	vst v63  }
0x23: {  	v3 =	vld [tilespmem:$0x10];
	_ =	sdelay $0x4  }
0x24: {  	v61 =	vshll.u32 v3, $0x2  }
0x25: {  	v3 =	vand.u32 $0x7, v3;
	v4 =	vand.u32 $0xFFFFFFE0, v61  }
0x26: {  	v3 =	vor.u32 v3, v4  }
0x27: {  	v4 =	vperm.xlane v3, v0;
	_ =	sdelay $0x1  }
0x28: {  	v4 =	vadd.s32 v1, v4;
	_ =	sdelay $0x1  }
0x29: {  	v3 =	vperm.xlane v3, v2;
	_ =	sdelay $0x1  }
0x2a: {  	v3 =	vadd.s32 v1, v3  }
0x2b: {  	[tilespmem:s13], [sflag:$0x1] =	stream.indirect_vreg.gather [hbm4b:s1+s3], $0x80, v4, vm0, $0xb8;
	[tilespmem:$0x8080] =	vst v63  }
0x2c: {  	_ = 	snop  }
0x2d: {  	[tilespmem:s14], [sflag:$0x1] =	stream.indirect_vreg.gather [hbm4b:s5+s3], $0x80, v4, vm0, $0xb8;
	[tilespmem:$0x8080] =	vst v63  }
0x2e: {  	_ = 	snop  }
0x2f: {  	[tilespmem:s15], [sflag:$0x1] =	stream.indirect_vreg.gather [hbm4b:s1+s3], $0x80, v3, vm0, $0xb8;
	[tilespmem:$0x8080] =	vst v63  }
0x30: {  	_ = 	snop  }
0x31: {  	[tilespmem:s16], [sflag:$0x1] =	stream.indirect_vreg.gather [hbm4b:s5+s3], $0x80, v3, vm0, $0xb8;
	[tilespmem:$0x8080] =	vst v63  }
0x32: {  	v3 =	vld [tilespmem:$0x20];
	_ =	sdelay $0x4  }
0x33: {  	v62 =	vshll.u32 v3, $0x2  }
0x34: {  	v3 =	vand.u32 $0x7, v3;
	v4 =	vand.u32 $0xFFFFFFE0, v62  }
0x35: {  	v3 =	vor.u32 v3, v4  }
0x36: {  	v4 =	vperm.xlane v3, v0;
	_ =	sdelay $0x1  }
0x37: {  	v4 =	vadd.s32 v1, v4;
	_ =	sdelay $0x1  }
0x38: {  	v3 =	vperm.xlane v3, v2;
	_ =	sdelay $0x1  }
0x39: {  	v3 =	vadd.s32 v1, v3  }
0x3a: {  	[tilespmem:s17], [sflag:$0x1] =	stream.indirect_vreg.gather [hbm4b:s1+s3], $0x80, v4, vm0, $0xb8;
	[tilespmem:$0x8080] =	vst v63  }
0x3b: {  	_ = 	snop  }
0x3c: {  	[tilespmem:s18], [sflag:$0x1] =	stream.indirect_vreg.gather [hbm4b:s5+s3], $0x80, v4, vm0, $0xb8;
	[tilespmem:$0x8080] =	vst v63  }
0x3d: {  	_ = 	snop  }
0x3e: {  	[tilespmem:s19], [sflag:$0x1] =	stream.indirect_vreg.gather [hbm4b:s1+s3], $0x80, v3, vm0, $0xb8;
	[tilespmem:$0x8080] =	vst v63  }
0x3f: {  	_ = 	snop  }
0x40: {  	[tilespmem:s20], [sflag:$0x1] =	stream.indirect_vreg.gather [hbm4b:s5+s3], $0x80, v3, vm0, $0xb8;
	[tilespmem:$0x8080] =	vst v63  }
0x41: {  	v3 =	vld [tilespmem:$0x30];
	_ =	sdelay $0x4  }
0x42: {  	v63 =	vshll.u32 v3, $0x2  }
0x43: {  	v3 =	vand.u32 $0x7, v3;
	v4 =	vand.u32 $0xFFFFFFE0, v63  }
0x44: {  	v3 =	vor.u32 v3, v4  }
0x45: {  	v4 =	vperm.xlane v3, v0;
	_ =	sdelay $0x1  }
0x46: {  	v4 =	vadd.s32 v1, v4;
	_ =	sdelay $0x1  }
0x47: {  	v3 =	vperm.xlane v3, v2;
	_ =	sdelay $0x1  }
0x48: {  	v3 =	vadd.s32 v1, v3  }
0x49: {  	[tilespmem:s21], [sflag:$0x1] =	stream.indirect_vreg.gather [hbm4b:s1+s3], $0x80, v4, vm0, $0xb8;
	[tilespmem:$0x8080] =	vst v63  }
0x4a: {  	_ = 	snop  }
0x4b: {  	[tilespmem:s22], [sflag:$0x1] =	stream.indirect_vreg.gather [hbm4b:s5+s3], $0x80, v4, vm0, $0xb8;
	[tilespmem:$0x8080] =	vst v63  }
0x4c: {  	_ = 	snop  }
0x4d: {  	[tilespmem:s23], [sflag:$0x1] =	stream.indirect_vreg.gather [hbm4b:s1+s3], $0x80, v3, vm0, $0xb8;
	[tilespmem:$0x8080] =	vst v63  }
0x4e: {  	_ = 	snop  }
0x4f: {  	[tilespmem:s24], [sflag:$0x1] =	stream.indirect_vreg.gather [hbm4b:s5+s3], $0x80, v3, vm0, $0xb8;
	[tilespmem:$0x8080] =	vst v63  }
0x50: {  	_ =	swait.ge [sflag:s25], $0x8000  }
0x51: {  	p0 =	sne.s32 s7, $0x1;
	[sflag:s25] =	ssyncset.done $0x0  }
.Ltmp0:
0x52: {  	[sflag:s25] =	ssyncadd.s32 $0xFFFF8000;
	(pc) =	sbr.rel @p0 .LBB2_1-.Ltmp0, $4  }
0x53: {  	[hbm4b:s6+s3] =	stream.linear.scatter [tilespmem:s9], [sflag:$0x2], $0x8000, $0x38;
	[tilespmem:$0x8080] =	vst v63  }
0x54: {  	_ =	swait.ge [sflag:s8], $0x8000  }
0x55: {  	[sflag:s8] =	ssyncset.done $0x0  }
0x56: {  	s7 =	sadd.s32 $0xFFFFFFFF, s7;
	[sflag:s8] =	ssyncadd.s32 $0xFFFF8000  }
0x57: {  	_ =	sfence.sel $0x180000  }
0x58: {  	[bflag:$0x0] =	sbarrier.arrive $0xFFFF  }
0x59: {  	p0 =	sne.s32 s2, $0x0;
	_ =	strace $0x90000047  }
0x5a: {  	s0 =	sadd.s32 @!p0 $0x100000, s0;
	[bflag:$0x2] =	sbarrier.arrive $0xFFFF  }
0x5b: {  	[sflag:s0] =	ssyncadd.tile.s32 @!p0 $0x1;
	_ =	shalt  }
.Lfunc_end2:
_tile_overlayer_lowered:
.L_overlay_start_2:
0x5c: {  	(tag) =	ssettag $0x2  }
0x5d: {  	s0 =	rddreg [dreg:$0x0];
	s2 =	stileid.u32  }
0x5e: {  	s1 =	rddreg [dreg:$0x1];
	p0 =	sne.s32 s2, $0x0  }
0x5f: {  	s3 =	rddreg [dreg:$0x2];
	[bflag:$0x3] =	sbarrier.arrive $0xFFFF;
	s2 =	simm.s32 @!p0 $0x1C02  }
0x60: {  	[timem:s3], [sflag:s2] =	dma.local @!p0 [hbm:s0], s1  }
0x61: {  	s0 =	simm.s32 @!p0 $0x2  }
0x62: {  	_ =	swait.ge @!p0 [sflag:s0], s1  }
0x63: {  	s1 =	ssub.s32 @!p0 $0x0, s1;
	[sflag:s0] =	ssyncset.done @!p0 $0x0  }
0x64: {  	[sflag:s0] =	ssyncadd.s32 @!p0 s1  }
0x65: {  	[bflag:$0x3] =	sbarrier.arrive $0xFFFF  }
0x66: {  	_ =	shalt  }

</sc_bundles>
